<compile_context>
chip_gen: v7x
topology: tpu7x:2x2x1
jax: 0.10.2.dev20260603
libtpu: 0.0.44.dev20260713+nightly
codegen_flags: <defaults>
</compile_context>

<pallas_src>
import functools

import jax
import jax.numpy as jnp
from jax import lax
from jax.experimental import pallas as pl
from jax.experimental.pallas import tpu as pltpu
from jax.experimental.pallas import tpu_sc as plsc

D4 = 256
D8 = 128
DOUT = D4 + D4 + D8
NC, NS = 2, 16
NW = NC * NS


def _sc_gather_into(table, ids, B):
    b_per_w = B // NW
    CH = 128
    NBUF = 3
    DEPTH = 2
    n_ch = b_per_w // CH
    mesh = plsc.VectorSubcoreMesh(core_axis_name="c", subcore_axis_name="s")

    @functools.partial(
        pl.kernel,
        out_type=jax.ShapeDtypeStruct((B, DOUT), jnp.float32),
        mesh=mesh,
        scratch_types=(
            [pltpu.VMEM((b_per_w,), jnp.int32)]
            + [pltpu.VMEM((CH, D4), jnp.float32)] * NBUF
            + [pltpu.SemaphoreType.DMA] * (2 * NBUF)
        ),
    )
    def k(table_hbm, idx_hbm, out_hbm, idx_v, *rest):
        bufs = rest[:NBUF]
        rsems = rest[NBUF:2 * NBUF]
        wsems = rest[2 * NBUF:]
        wid = lax.axis_index("s") * NC + lax.axis_index("c")
        base = wid * b_per_w
        pltpu.sync_copy(idx_hbm.at[pl.ds(base, b_per_w)], idx_v)
        hr = [None] * n_ch
        hw = [None] * n_ch
        for p in range(min(DEPTH, n_ch)):
            hr[p] = pltpu.async_copy(
                table_hbm.at[idx_v.at[pl.ds(p * CH, CH)]],
                bufs[p % NBUF], rsems[p % NBUF])
        for c in range(n_ch):
            hr[c].wait()
            hw[c] = pltpu.async_copy(
                bufs[c % NBUF],
                out_hbm.at[pl.ds(base + c * CH, CH), pl.ds(0, D4)],
                wsems[c % NBUF])
            nxt = c + DEPTH
            if nxt < n_ch:
                if nxt - NBUF >= 0:
                    hw[nxt - NBUF].wait()
                hr[nxt] = pltpu.async_copy(
                    table_hbm.at[idx_v.at[pl.ds(nxt * CH, CH)]],
                    bufs[nxt % NBUF], rsems[nxt % NBUF])
        for c in range(max(0, n_ch - NBUF), n_ch):
            hw[c].wait()

    return k(table, ids)


def _tc_mlps_inplace(buf, X8, M1, W2, b2, M3, W4, b4):
    B = X8.shape[0]
    bs = 8192
    grid = (B // bs, 2)
    dn = (((1,), (0,)), ((), ()))
    dnT = (((1,), (1,)), ((), ()))

    def body(buf_ref, X8_ref, M1_ref, W2_ref, b2_ref, M3_ref, W4_ref, b4_ref,
             out_ref):
        del buf_ref
        j = pl.program_id(1)
        x = X8_ref[:, :]

        @pl.when(j == 0)
        def _():
            h = jnp.maximum(lax.dot_general(
                x, M1_ref[:, :], dn, preferred_element_type=jnp.float32), 0.0)
            out_ref[:, :] = lax.dot_general(
                h.astype(jnp.bfloat16), W2_ref[:, :], dnT,
                preferred_element_type=jnp.float32) + b2_ref[:][None, :]

        @pl.when(j == 1)
        def _():
            g = jnp.maximum(lax.dot_general(
                x, M3_ref[:, :], dn, preferred_element_type=jnp.float32), 0.0)
            out_ref[:, :D8] = jax.nn.sigmoid(lax.dot_general(
                g.astype(jnp.bfloat16), W4_ref[:, :], dnT,
                preferred_element_type=jnp.float32) + b4_ref[:][None, :])

    return pl.pallas_call(
        body,
        grid=grid,
        in_specs=[
            pl.BlockSpec(memory_space=pl.ANY),
            pl.BlockSpec((bs, 8), lambda i, j: (i, 0)),
            pl.BlockSpec((8, D4), lambda i, j: (0, 0)),
            pl.BlockSpec((D4, D4), lambda i, j: (0, 0)),
            pl.BlockSpec((D4,), lambda i, j: (0,)),
            pl.BlockSpec((8, D8), lambda i, j: (0, 0)),
            pl.BlockSpec((D8, D8), lambda i, j: (0, 0)),
            pl.BlockSpec((D8,), lambda i, j: (0,)),
        ],
        out_specs=pl.BlockSpec((bs, D4), lambda i, j: (i, j + 1)),
        out_shape=jax.ShapeDtypeStruct((B, DOUT), jnp.float32),
        input_output_aliases={0: 0},
    )(buf, X8, M1, W2, b2, M3, W4, b4)


def kernel(time_control_id, white_remaining, black_remaining, table,
           W1, b1, W2, b2, W3, b3, W4, b4):
    B = time_control_id.shape[0]
    ids = time_control_id.astype(jnp.int32)
    one = jnp.ones((B, 1), jnp.float32)
    X8 = jnp.concatenate(
        [white_remaining[:, None], black_remaining[:, None], one,
         jnp.zeros((B, 5), jnp.float32)], axis=1)
    zpad = jnp.zeros((5, D4), jnp.float32)
    M1 = jnp.concatenate([W1[:, 0][None], W1[:, 1][None], b1[None], zpad], 0)
    M3 = jnp.concatenate(
        [W3[:, 0][None], W3[:, 1][None], b3[None], zpad[:, :D8]], 0)
    buf = _sc_gather_into(table, ids, B)
    return _tc_mlps_inplace(buf, X8, M1, W2.astype(jnp.bfloat16), b2,
                            M3, W4.astype(jnp.bfloat16), b4)

# --- scband reference (transcript-rebuilt; emitter-appended) ---
"""Pipeline reference for scband-time-control-embedding-33406255629145 (READ-ONLY COPY).

The authoritative reference and input builder live on the scoring server;
editing this copy changes nothing except your own understanding.
"""

import jax, jax.numpy as jnp
import numpy as np

D_MODEL = 1024
B = 16384
VOCAB = 457
D4 = D_MODEL // 4  # 256
D8 = D_MODEL // 8  # 128


def setup_inputs(seed: int = 0) -> dict:
    key = jax.random.key(seed)
    ks = jax.random.split(key, 12)
    time_control_id = jax.random.randint(ks[0], (B,), 0, VOCAB, dtype=jnp.int64 if jax.config.jax_enable_x64 else jnp.int32)
    white_remaining = jax.random.uniform(ks[1], (B,), dtype=jnp.float32)
    black_remaining = jax.random.uniform(ks[2], (B,), dtype=jnp.float32)
    table = jax.random.normal(ks[3], (VOCAB, D4), dtype=jnp.float32)
    # time_remaining_encoder: Linear(2, D4) -> ReLU -> Linear(D4, D4)
    W1 = jax.random.normal(ks[4], (D4, 2), dtype=jnp.float32) * (1.0 / np.sqrt(2))
    b1 = jnp.zeros((D4,), dtype=jnp.float32)
    W2 = jax.random.normal(ks[5], (D4, D4), dtype=jnp.float32) * (1.0 / np.sqrt(D4))
    b2 = jnp.zeros((D4,), dtype=jnp.float32)
    # time_pressure_detector: Linear(2, D8) -> ReLU -> Linear(D8, D8) -> Sigmoid
    W3 = jax.random.normal(ks[6], (D8, 2), dtype=jnp.float32) * (1.0 / np.sqrt(2))
    b3 = jnp.zeros((D8,), dtype=jnp.float32)
    W4 = jax.random.normal(ks[7], (D8, D8), dtype=jnp.float32) * (1.0 / np.sqrt(D8))
    b4 = jnp.zeros((D8,), dtype=jnp.float32)
    return {
        "time_control_id": time_control_id,
        "white_remaining": white_remaining,
        "black_remaining": black_remaining,
        "table": table,
        "W1": W1, "b1": b1, "W2": W2, "b2": b2,
        "W3": W3, "b3": b3, "W4": W4, "b4": b4,
    }


def reference(time_control_id, white_remaining, black_remaining, table,
              W1, b1, W2, b2, W3, b3, W4, b4):
    # embedding lookup
    time_control_embed = jnp.take(table, time_control_id, axis=0)  # [B, D4]
    x = jnp.stack([white_remaining, black_remaining], axis=-1)     # [B, 2]
    # time_remaining_encoder
    h = jax.nn.relu(x @ W1.T + b1)
    remaining_time_embed = h @ W2.T + b2                            # [B, D4]
    # time_pressure_detector
    g = jax.nn.relu(x @ W3.T + b3)
    time_pressure = jax.nn.sigmoid(g @ W4.T + b4)                   # [B, D8]
    combined = jnp.concatenate([time_control_embed, remaining_time_embed, time_pressure], axis=-1)
    return combined

if __name__ == "__main__":
    import jax
    _d = setup_inputs()
    print(jax.jit(kernel)(*tuple(_d.values())))

</pallas_src>

<mosaic_0001>
#map = affine_map<(d0, d1) -> (0, 0)>
#map1 = affine_map<(d0, d1) -> (0)>
module attributes {stable_mosaic.version = 14 : i64} {
  func.func @k(%arg0: i32, %arg1: i32, %arg2: memref<457x256xf32, #tpu.memory_space<hbm>>, %arg3: memref<16384xi32, #tpu.memory_space<hbm>>, %arg4: memref<16384x640xf32, #tpu.memory_space<hbm>>, %arg5: memref<512xi32, #tpu.memory_space<vmem>>, %arg6: memref<128x256xf32, #tpu.memory_space<vmem>>, %arg7: memref<128x256xf32, #tpu.memory_space<vmem>>, %arg8: memref<128x256xf32, #tpu.memory_space<vmem>>, %arg9: memref<!tpu.dma_semaphore, #tpu.memory_space<semaphore_mem>>, %arg10: memref<!tpu.dma_semaphore, #tpu.memory_space<semaphore_mem>>, %arg11: memref<!tpu.dma_semaphore, #tpu.memory_space<semaphore_mem>>, %arg12: memref<!tpu.dma_semaphore, #tpu.memory_space<semaphore_mem>>, %arg13: memref<!tpu.dma_semaphore, #tpu.memory_space<semaphore_mem>>, %arg14: memref<!tpu.dma_semaphore, #tpu.memory_space<semaphore_mem>>) attributes {dimension_semantics = [#tpu.dimension_semantics<core_parallel>, #tpu.dimension_semantics<subcore_parallel>], iteration_bounds = array<i64: 2, 16>, scalar_prefetch = 0 : i64, scratch_operands = 10 : i64, tpu.core_type = #tpu.core_type<sc_vector_subcore>, window_params = [{transform_indices = #map}, {transform_indices = #map1}, {transform_indices = #map}]} {
    %mul3A = arith.constant 2 : i32
    %mul3A_0 = arith.muli %arg1, %mul3A : i32
    %add3A = arith.addi %mul3A_0, %arg0 : i32
    %mul3A_1 = arith.constant 512 : i32
    %mul3A_2 = arith.muli %add3A, %mul3A_1 : i32
    "tpu.region"() ({
      %run_scoped3A = tpu.sem_alloc : memref<!tpu.dma_semaphore, #tpu.memory_space<semaphore_mem>>
      %dma_start3A_81 = tpu.memref_slice %arg3[%mul3A_2] : memref<16384xi32, #tpu.memory_space<hbm>> -> memref<512xi32, #tpu.memory_space<hbm>>
      %dma_start3A_82 = tpu.memref_slice %arg3[%mul3A_2] : memref<16384xi32, #tpu.memory_space<hbm>> -> memref<512xi32, #tpu.memory_space<hbm>>
      tpu.enqueue_dma source(%dma_start3A_82 : memref<512xi32, #tpu.memory_space<hbm>>) target(%arg5 : memref<512xi32, #tpu.memory_space<vmem>>) target_semaphore(%run_scoped3A : memref<!tpu.dma_semaphore, #tpu.memory_space<semaphore_mem>>)
      %dma_wait3A_83 = tpu.memref_slice %arg3[%mul3A_2] : memref<16384xi32, #tpu.memory_space<hbm>> -> memref<512xi32, #tpu.memory_space<hbm>>
      %dma_wait3A_84 = tpu.memref_slice %arg3[%mul3A_2] : memref<16384xi32, #tpu.memory_space<hbm>> -> memref<512xi32, #tpu.memory_space<hbm>>
      tpu.wait_dma2 semaphore(%run_scoped3A : memref<!tpu.dma_semaphore, #tpu.memory_space<semaphore_mem>>) src(%dma_wait3A_84 : memref<512xi32, #tpu.memory_space<hbm>>) dst(%arg5 : memref<512xi32, #tpu.memory_space<vmem>>)
      tpu.yield
    }) : () -> ()
    %dma_start3A = arith.constant 0 : i32
    %dma_start3A_3 = tpu.memref_slice %arg5[%dma_start3A] : memref<512xi32, #tpu.memory_space<vmem>> -> memref<128xi32, #tpu.memory_space<vmem>>
    %dma_start3A_4 = arith.constant 0 : i32
    %dma_start3A_5 = arith.constant 0 : i32
    %dma_start3A_6 = tpu.memref_slice %arg2[%dma_start3A_4, %dma_start3A_5] : memref<457x256xf32, #tpu.memory_space<hbm>> -> memref<457x256xf32, #tpu.memory_space<hbm>>
    tpu.enqueue_indirect_dma source(%dma_start3A_6 : memref<457x256xf32, #tpu.memory_space<hbm>>) target(%arg6 : memref<128x256xf32, #tpu.memory_space<vmem>>) offsets(%dma_start3A_3 : memref<128xi32, #tpu.memory_space<vmem>>) semaphore(%arg9 : memref<!tpu.dma_semaphore, #tpu.memory_space<semaphore_mem>>)
    %dma_start3A_7 = arith.constant 128 : i32
    %dma_start3A_8 = tpu.memref_slice %arg5[%dma_start3A_7] : memref<512xi32, #tpu.memory_space<vmem>> -> memref<128xi32, #tpu.memory_space<vmem>>
    %dma_start3A_9 = arith.constant 0 : i32
    %dma_start3A_10 = arith.constant 0 : i32
    %dma_start3A_11 = tpu.memref_slice %arg2[%dma_start3A_9, %dma_start3A_10] : memref<457x256xf32, #tpu.memory_space<hbm>> -> memref<457x256xf32, #tpu.memory_space<hbm>>
    tpu.enqueue_indirect_dma source(%dma_start3A_11 : memref<457x256xf32, #tpu.memory_space<hbm>>) target(%arg7 : memref<128x256xf32, #tpu.memory_space<vmem>>) offsets(%dma_start3A_8 : memref<128xi32, #tpu.memory_space<vmem>>) semaphore(%arg10 : memref<!tpu.dma_semaphore, #tpu.memory_space<semaphore_mem>>)
    %dma_wait3A = arith.constant 0 : i32
    %dma_wait3A_12 = tpu.memref_slice %arg5[%dma_wait3A] : memref<512xi32, #tpu.memory_space<vmem>> -> memref<128xi32, #tpu.memory_space<vmem>>
    %dma_wait3A_13 = arith.constant 0 : i32
    %dma_wait3A_14 = arith.constant 0 : i32
    %dma_wait3A_15 = tpu.memref_slice %arg2[%dma_wait3A_13, %dma_wait3A_14] : memref<457x256xf32, #tpu.memory_space<hbm>> -> memref<457x256xf32, #tpu.memory_space<hbm>>
    tpu.wait_indirect_dma semaphore(%arg9 : memref<!tpu.dma_semaphore, #tpu.memory_space<semaphore_mem>>) src(%dma_wait3A_15 : memref<457x256xf32, #tpu.memory_space<hbm>>) dst(%arg6 : memref<128x256xf32, #tpu.memory_space<vmem>>)
    %add3A_16 = arith.constant 0 : i32
    %add3A_17 = arith.addi %mul3A_2, %add3A_16 : i32
    %dma_start3A_18 = arith.constant 0 : i32
    %dma_start3A_19 = tpu.memref_slice %arg4[%add3A_17, %dma_start3A_18] : memref<16384x640xf32, #tpu.memory_space<hbm>> -> memref<128x256xf32, #tpu.memory_space<hbm>>
    %dma_start3A_20 = arith.constant 0 : i32
    %dma_start3A_21 = tpu.memref_slice %arg4[%add3A_17, %dma_start3A_20] : memref<16384x640xf32, #tpu.memory_space<hbm>> -> memref<128x256xf32, #tpu.memory_space<hbm>>
    tpu.enqueue_dma source(%arg6 : memref<128x256xf32, #tpu.memory_space<vmem>>) target(%dma_start3A_21 : memref<128x256xf32, #tpu.memory_space<hbm>>) target_semaphore(%arg12 : memref<!tpu.dma_semaphore, #tpu.memory_space<semaphore_mem>>)
    %dma_start3A_22 = arith.constant 256 : i32
    %dma_start3A_23 = tpu.memref_slice %arg5[%dma_start3A_22] : memref<512xi32, #tpu.memory_space<vmem>> -> memref<128xi32, #tpu.memory_space<vmem>>
    %dma_start3A_24 = arith.constant 0 : i32
    %dma_start3A_25 = arith.constant 0 : i32
    %dma_start3A_26 = tpu.memref_slice %arg2[%dma_start3A_24, %dma_start3A_25] : memref<457x256xf32, #tpu.memory_space<hbm>> -> memref<457x256xf32, #tpu.memory_space<hbm>>
    tpu.enqueue_indirect_dma source(%dma_start3A_26 : memref<457x256xf32, #tpu.memory_space<hbm>>) target(%arg8 : memref<128x256xf32, #tpu.memory_space<vmem>>) offsets(%dma_start3A_23 : memref<128xi32, #tpu.memory_space<vmem>>) semaphore(%arg11 : memref<!tpu.dma_semaphore, #tpu.memory_space<semaphore_mem>>)
    %dma_wait3A_27 = arith.constant 128 : i32
    %dma_wait3A_28 = tpu.memref_slice %arg5[%dma_wait3A_27] : memref<512xi32, #tpu.memory_space<vmem>> -> memref<128xi32, #tpu.memory_space<vmem>>
    %dma_wait3A_29 = arith.constant 0 : i32
    %dma_wait3A_30 = arith.constant 0 : i32
    %dma_wait3A_31 = tpu.memref_slice %arg2[%dma_wait3A_29, %dma_wait3A_30] : memref<457x256xf32, #tpu.memory_space<hbm>> -> memref<457x256xf32, #tpu.memory_space<hbm>>
    tpu.wait_indirect_dma semaphore(%arg10 : memref<!tpu.dma_semaphore, #tpu.memory_space<semaphore_mem>>) src(%dma_wait3A_31 : memref<457x256xf32, #tpu.memory_space<hbm>>) dst(%arg7 : memref<128x256xf32, #tpu.memory_space<vmem>>)
    %add3A_32 = arith.constant 128 : i32
    %add3A_33 = arith.addi %mul3A_2, %add3A_32 : i32
    %dma_start3A_34 = arith.constant 0 : i32
    %dma_start3A_35 = tpu.memref_slice %arg4[%add3A_33, %dma_start3A_34] : memref<16384x640xf32, #tpu.memory_space<hbm>> -> memref<128x256xf32, #tpu.memory_space<hbm>>
    %dma_start3A_36 = arith.constant 0 : i32
    %dma_start3A_37 = tpu.memref_slice %arg4[%add3A_33, %dma_start3A_36] : memref<16384x640xf32, #tpu.memory_space<hbm>> -> memref<128x256xf32, #tpu.memory_space<hbm>>
    tpu.enqueue_dma source(%arg7 : memref<128x256xf32, #tpu.memory_space<vmem>>) target(%dma_start3A_37 : memref<128x256xf32, #tpu.memory_space<hbm>>) target_semaphore(%arg13 : memref<!tpu.dma_semaphore, #tpu.memory_space<semaphore_mem>>)
    %dma_wait3A_38 = arith.constant 0 : i32
    %dma_wait3A_39 = tpu.memref_slice %arg4[%add3A_17, %dma_wait3A_38] : memref<16384x640xf32, #tpu.memory_space<hbm>> -> memref<128x256xf32, #tpu.memory_space<hbm>>
    %dma_wait3A_40 = arith.constant 0 : i32
    %dma_wait3A_41 = tpu.memref_slice %arg4[%add3A_17, %dma_wait3A_40] : memref<16384x640xf32, #tpu.memory_space<hbm>> -> memref<128x256xf32, #tpu.memory_space<hbm>>
    tpu.wait_dma2 semaphore(%arg12 : memref<!tpu.dma_semaphore, #tpu.memory_space<semaphore_mem>>) src(%arg6 : memref<128x256xf32, #tpu.memory_space<vmem>>) dst(%dma_wait3A_41 : memref<128x256xf32, #tpu.memory_space<hbm>>)
    %dma_start3A_42 = arith.constant 384 : i32
    %dma_start3A_43 = tpu.memref_slice %arg5[%dma_start3A_42] : memref<512xi32, #tpu.memory_space<vmem>> -> memref<128xi32, #tpu.memory_space<vmem>>
    %dma_start3A_44 = arith.constant 0 : i32
    %dma_start3A_45 = arith.constant 0 : i32
    %dma_start3A_46 = tpu.memref_slice %arg2[%dma_start3A_44, %dma_start3A_45] : memref<457x256xf32, #tpu.memory_space<hbm>> -> memref<457x256xf32, #tpu.memory_space<hbm>>
    tpu.enqueue_indirect_dma source(%dma_start3A_46 : memref<457x256xf32, #tpu.memory_space<hbm>>) target(%arg6 : memref<128x256xf32, #tpu.memory_space<vmem>>) offsets(%dma_start3A_43 : memref<128xi32, #tpu.memory_space<vmem>>) semaphore(%arg9 : memref<!tpu.dma_semaphore, #tpu.memory_space<semaphore_mem>>)
    %dma_wait3A_47 = arith.constant 256 : i32
    %dma_wait3A_48 = tpu.memref_slice %arg5[%dma_wait3A_47] : memref<512xi32, #tpu.memory_space<vmem>> -> memref<128xi32, #tpu.memory_space<vmem>>
    %dma_wait3A_49 = arith.constant 0 : i32
    %dma_wait3A_50 = arith.constant 0 : i32
    %dma_wait3A_51 = tpu.memref_slice %arg2[%dma_wait3A_49, %dma_wait3A_50] : memref<457x256xf32, #tpu.memory_space<hbm>> -> memref<457x256xf32, #tpu.memory_space<hbm>>
    tpu.wait_indirect_dma semaphore(%arg11 : memref<!tpu.dma_semaphore, #tpu.memory_space<semaphore_mem>>) src(%dma_wait3A_51 : memref<457x256xf32, #tpu.memory_space<hbm>>) dst(%arg8 : memref<128x256xf32, #tpu.memory_space<vmem>>)
    %add3A_52 = arith.constant 256 : i32
    %add3A_53 = arith.addi %mul3A_2, %add3A_52 : i32
    %dma_start3A_54 = arith.constant 0 : i32
    %dma_start3A_55 = tpu.memref_slice %arg4[%add3A_53, %dma_start3A_54] : memref<16384x640xf32, #tpu.memory_space<hbm>> -> memref<128x256xf32, #tpu.memory_space<hbm>>
    %dma_start3A_56 = arith.constant 0 : i32
    %dma_start3A_57 = tpu.memref_slice %arg4[%add3A_53, %dma_start3A_56] : memref<16384x640xf32, #tpu.memory_space<hbm>> -> memref<128x256xf32, #tpu.memory_space<hbm>>
    tpu.enqueue_dma source(%arg8 : memref<128x256xf32, #tpu.memory_space<vmem>>) target(%dma_start3A_57 : memref<128x256xf32, #tpu.memory_space<hbm>>) target_semaphore(%arg14 : memref<!tpu.dma_semaphore, #tpu.memory_space<semaphore_mem>>)
    %dma_wait3A_58 = arith.constant 384 : i32
    %dma_wait3A_59 = tpu.memref_slice %arg5[%dma_wait3A_58] : memref<512xi32, #tpu.memory_space<vmem>> -> memref<128xi32, #tpu.memory_space<vmem>>
    %dma_wait3A_60 = arith.constant 0 : i32
    %dma_wait3A_61 = arith.constant 0 : i32
    %dma_wait3A_62 = tpu.memref_slice %arg2[%dma_wait3A_60, %dma_wait3A_61] : memref<457x256xf32, #tpu.memory_space<hbm>> -> memref<457x256xf32, #tpu.memory_space<hbm>>
    tpu.wait_indirect_dma semaphore(%arg9 : memref<!tpu.dma_semaphore, #tpu.memory_space<semaphore_mem>>) src(%dma_wait3A_62 : memref<457x256xf32, #tpu.memory_space<hbm>>) dst(%arg6 : memref<128x256xf32, #tpu.memory_space<vmem>>)
    %add3A_63 = arith.constant 384 : i32
    %add3A_64 = arith.addi %mul3A_2, %add3A_63 : i32
    %dma_start3A_65 = arith.constant 0 : i32
    %dma_start3A_66 = tpu.memref_slice %arg4[%add3A_64, %dma_start3A_65] : memref<16384x640xf32, #tpu.memory_space<hbm>> -> memref<128x256xf32, #tpu.memory_space<hbm>>
    %dma_start3A_67 = arith.constant 0 : i32
    %dma_start3A_68 = tpu.memref_slice %arg4[%add3A_64, %dma_start3A_67] : memref<16384x640xf32, #tpu.memory_space<hbm>> -> memref<128x256xf32, #tpu.memory_space<hbm>>
    tpu.enqueue_dma source(%arg6 : memref<128x256xf32, #tpu.memory_space<vmem>>) target(%dma_start3A_68 : memref<128x256xf32, #tpu.memory_space<hbm>>) target_semaphore(%arg12 : memref<!tpu.dma_semaphore, #tpu.memory_space<semaphore_mem>>)
    %dma_wait3A_69 = arith.constant 0 : i32
    %dma_wait3A_70 = tpu.memref_slice %arg4[%add3A_33, %dma_wait3A_69] : memref<16384x640xf32, #tpu.memory_space<hbm>> -> memref<128x256xf32, #tpu.memory_space<hbm>>
    %dma_wait3A_71 = arith.constant 0 : i32
    %dma_wait3A_72 = tpu.memref_slice %arg4[%add3A_33, %dma_wait3A_71] : memref<16384x640xf32, #tpu.memory_space<hbm>> -> memref<128x256xf32, #tpu.memory_space<hbm>>
    tpu.wait_dma2 semaphore(%arg13 : memref<!tpu.dma_semaphore, #tpu.memory_space<semaphore_mem>>) src(%arg7 : memref<128x256xf32, #tpu.memory_space<vmem>>) dst(%dma_wait3A_72 : memref<128x256xf32, #tpu.memory_space<hbm>>)
    %dma_wait3A_73 = arith.constant 0 : i32
    %dma_wait3A_74 = tpu.memref_slice %arg4[%add3A_53, %dma_wait3A_73] : memref<16384x640xf32, #tpu.memory_space<hbm>> -> memref<128x256xf32, #tpu.memory_space<hbm>>
    %dma_wait3A_75 = arith.constant 0 : i32
    %dma_wait3A_76 = tpu.memref_slice %arg4[%add3A_53, %dma_wait3A_75] : memref<16384x640xf32, #tpu.memory_space<hbm>> -> memref<128x256xf32, #tpu.memory_space<hbm>>
    tpu.wait_dma2 semaphore(%arg14 : memref<!tpu.dma_semaphore, #tpu.memory_space<semaphore_mem>>) src(%arg8 : memref<128x256xf32, #tpu.memory_space<vmem>>) dst(%dma_wait3A_76 : memref<128x256xf32, #tpu.memory_space<hbm>>)
    %dma_wait3A_77 = arith.constant 0 : i32
    %dma_wait3A_78 = tpu.memref_slice %arg4[%add3A_64, %dma_wait3A_77] : memref<16384x640xf32, #tpu.memory_space<hbm>> -> memref<128x256xf32, #tpu.memory_space<hbm>>
    %dma_wait3A_79 = arith.constant 0 : i32
    %dma_wait3A_80 = tpu.memref_slice %arg4[%add3A_64, %dma_wait3A_79] : memref<16384x640xf32, #tpu.memory_space<hbm>> -> memref<128x256xf32, #tpu.memory_space<hbm>>
    tpu.wait_dma2 semaphore(%arg12 : memref<!tpu.dma_semaphore, #tpu.memory_space<semaphore_mem>>) src(%arg6 : memref<128x256xf32, #tpu.memory_space<vmem>>) dst(%dma_wait3A_80 : memref<128x256xf32, #tpu.memory_space<hbm>>)
    return
  }
}

module attributes {stable_mosaic.version = 14 : i64} {
  func.func @body(%arg0: i32, %arg1: i32, %arg2: memref<16384x640xf32, #tpu.memory_space<any>>, %arg3: memref<8192x8xf32, #tpu.memory_space<vmem>>, %arg4: memref<8x256xf32, #tpu.memory_space<vmem>>, %arg5: memref<256x256xbf16, #tpu.memory_space<vmem>>, %arg6: memref<256xf32, #tpu.memory_space<vmem>>, %arg7: memref<8x128xf32, #tpu.memory_space<vmem>>, %arg8: memref<128x128xbf16, #tpu.memory_space<vmem>>, %arg9: memref<128xf32, #tpu.memory_space<vmem>>, %arg10: memref<8192x256xf32, #tpu.memory_space<vmem>>) attributes {dimension_semantics = [#tpu.dimension_semantics<arbitrary>, #tpu.dimension_semantics<arbitrary>], iteration_bounds = array<i64: 2, 2>, scalar_prefetch = 0 : i64, scratch_operands = 0 : i64, tpu.core_type = #tpu.core_type<tc>, window_params = [{}, {transform_indices = @transform_1, window_bounds = array<i64: 8192, 8>}, {pipeline_mode = #tpu.pipeline_mode<synchronous>, transform_indices = @transform_2, window_bounds = array<i64: 8, 256>}, {pipeline_mode = #tpu.pipeline_mode<synchronous>, transform_indices = @transform_3, window_bounds = array<i64: 256, 256>}, {pipeline_mode = #tpu.pipeline_mode<synchronous>, transform_indices = @transform_4, window_bounds = array<i64: 256>}, {pipeline_mode = #tpu.pipeline_mode<synchronous>, transform_indices = @transform_5, window_bounds = array<i64: 8, 128>}, {pipeline_mode = #tpu.pipeline_mode<synchronous>, transform_indices = @transform_6, window_bounds = array<i64: 128, 128>}, {pipeline_mode = #tpu.pipeline_mode<synchronous>, transform_indices = @transform_7, window_bounds = array<i64: 128>}, {transform_indices = @transform_8, window_bounds = array<i64: 8192, 256>}]} {
    %get3A = arith.constant 0 : index
    %get3A_0 = arith.constant 0 : index
    %get3A_1 = vector.load %arg3[%get3A, %get3A_0] : memref<8192x8xf32, #tpu.memory_space<vmem>>, vector<8192x8xf32>
    %eq3A = arith.constant 0 : i32
    %eq3A_2 = arith.cmpi eq, %arg1, %eq3A : i32
    %convert_element_type3A = arith.extui %eq3A_2 : i1 to i32
    %cond3A = arith.constant 0 : i32
    %cond3A_3 = arith.cmpi ne, %convert_element_type3A, %cond3A : i32
    scf.if %cond3A_3 {
      %get3A_9 = arith.constant 0 : index
      %get3A_10 = arith.constant 0 : index
      %get3A_11 = vector.load %arg4[%get3A_9, %get3A_10] : memref<8x256xf32, #tpu.memory_space<vmem>>, vector<8x256xf32>
      %dot_general3A = arith.constant dense<0.000000e+00> : vector<8192x256xf32>
      %dot_general3A_12 = tpu.matmul %get3A_1, %get3A_11, %dot_general3A {dimension_numbers = #tpu.dot_dimension_numbers<[1], [0], [0], [1], [0, 0, 1, 1], [], []>, transpose_lhs_hint = false} : vector<8192x8xf32>, vector<8x256xf32>, vector<8192x256xf32> -> vector<8192x256xf32>
      %max3A = arith.constant 0.000000e+00 : f32
      %max3A_13 = vector.broadcast %max3A : f32 to vector<8192x256xf32>
      %max3A_14 = arith.maximumf %dot_general3A_12, %max3A_13 : vector<8192x256xf32>
      %convert_element_type3A_15 = arith.truncf %max3A_14 : vector<8192x256xf32> to vector<8192x256xbf16>
      %get3A_16 = arith.constant 0 : index
      %get3A_17 = arith.constant 0 : index
      %get3A_18 = vector.load %arg5[%get3A_16, %get3A_17] : memref<256x256xbf16, #tpu.memory_space<vmem>>, vector<256x256xbf16>
      %dot_general3A_19 = arith.constant dense<0.000000e+00> : vector<8192x256xf32>
      %dot_general3A_20 = tpu.matmul %convert_element_type3A_15, %get3A_18, %dot_general3A_19 {dimension_numbers = #tpu.dot_dimension_numbers<[1], [1], [0], [0], [0, 0, 1, 0], [], []>, transpose_lhs_hint = false} : vector<8192x256xbf16>, vector<256x256xbf16>, vector<8192x256xf32> -> vector<8192x256xf32>
      %get3A_21 = arith.constant 0 : index
      %get3A_22 = vector.load %arg6[%get3A_21] : memref<256xf32, #tpu.memory_space<vmem>>, vector<256xf32>
      %broadcast_in_dim3A = vector.shape_cast %get3A_22 : vector<256xf32> to vector<1x256xf32>
      %add3A = vector.broadcast %broadcast_in_dim3A : vector<1x256xf32> to vector<8192x256xf32>
      %add3A_23 = arith.addf %dot_general3A_20, %add3A : vector<8192x256xf32>
      %swap3A = arith.constant 0 : index
      %swap3A_24 = arith.constant 0 : index
      %swap3A_25 = vector.load %arg10[%swap3A, %swap3A_24] : memref<8192x256xf32, #tpu.memory_space<vmem>>, vector<8192x256xf32>
      tpu.vector_store %arg10[%swap3A, %swap3A_24], %add3A_23 {strides = array<i32>} : memref<8192x256xf32, #tpu.memory_space<vmem>>, vector<8192x256xf32>,
    } else {
    }
    %eq3A_4 = arith.constant 1 : i32
    %eq3A_5 = arith.cmpi eq, %arg1, %eq3A_4 : i32
    %convert_element_type3A_6 = arith.extui %eq3A_5 : i1 to i32
    %cond3A_7 = arith.constant 0 : i32
    %cond3A_8 = arith.cmpi ne, %convert_element_type3A_6, %cond3A_7 : i32
    scf.if %cond3A_8 {
      %get3A_9 = arith.constant 0 : index
      %get3A_10 = arith.constant 0 : index
      %get3A_11 = vector.load %arg7[%get3A_9, %get3A_10] : memref<8x128xf32, #tpu.memory_space<vmem>>, vector<8x128xf32>
      %dot_general3A = arith.constant dense<0.000000e+00> : vector<8192x128xf32>
      %dot_general3A_12 = tpu.matmul %get3A_1, %get3A_11, %dot_general3A {dimension_numbers = #tpu.dot_dimension_numbers<[1], [0], [0], [1], [0, 0, 1, 1], [], []>, transpose_lhs_hint = false} : vector<8192x8xf32>, vector<8x128xf32>, vector<8192x128xf32> -> vector<8192x128xf32>
      %max3A = arith.constant 0.000000e+00 : f32
      %max3A_13 = vector.broadcast %max3A : f32 to vector<8192x128xf32>
      %max3A_14 = arith.maximumf %dot_general3A_12, %max3A_13 : vector<8192x128xf32>
      %convert_element_type3A_15 = arith.truncf %max3A_14 : vector<8192x128xf32> to vector<8192x128xbf16>
      %get3A_16 = arith.constant 0 : index
      %get3A_17 = arith.constant 0 : index
      %get3A_18 = vector.load %arg8[%get3A_16, %get3A_17] : memref<128x128xbf16, #tpu.memory_space<vmem>>, vector<128x128xbf16>
      %dot_general3A_19 = arith.constant dense<0.000000e+00> : vector<8192x128xf32>
      %dot_general3A_20 = tpu.matmul %convert_element_type3A_15, %get3A_18, %dot_general3A_19 {dimension_numbers = #tpu.dot_dimension_numbers<[1], [1], [0], [0], [0, 0, 1, 0], [], []>, transpose_lhs_hint = false} : vector<8192x128xbf16>, vector<128x128xbf16>, vector<8192x128xf32> -> vector<8192x128xf32>
      %get3A_21 = arith.constant 0 : index
      %get3A_22 = vector.load %arg9[%get3A_21] : memref<128xf32, #tpu.memory_space<vmem>>, vector<128xf32>
      %broadcast_in_dim3A = vector.shape_cast %get3A_22 : vector<128xf32> to vector<1x128xf32>
      %add3A = vector.broadcast %broadcast_in_dim3A : vector<1x128xf32> to vector<8192x128xf32>
      %add3A_23 = arith.addf %dot_general3A_20, %add3A : vector<8192x128xf32>
      %logistic3A = arith.negf %add3A_23 : vector<8192x128xf32>
      %logistic3A_24 = math.exp %logistic3A : vector<8192x128xf32>
      %logistic3A_25 = arith.constant 1.000000e+00 : f32
      %logistic3A_26 = vector.broadcast %logistic3A_25 : f32 to vector<8192x128xf32>
      %logistic3A_27 = arith.addf %logistic3A_26, %logistic3A_24 : vector<8192x128xf32>
      %logistic3A_28 = arith.divf %logistic3A_26, %logistic3A_27 : vector<8192x128xf32>
      %swap3A = arith.constant 0 : index
      %swap3A_29 = arith.constant 0 : index
      %swap3A_30 = vector.load %arg10[%swap3A, %swap3A_29] : memref<8192x256xf32, #tpu.memory_space<vmem>>, vector<8192x128xf32>
      tpu.vector_store %arg10[%swap3A, %swap3A_29], %logistic3A_28 {strides = array<i32>} : memref<8192x256xf32, #tpu.memory_space<vmem>>, vector<8192x128xf32>,
    } else {
    }
    return
  }
  func.func @transform_1(%arg0: i32, %arg1: i32) -> (i32, i32) {
    %c0_i32 = arith.constant 0 : i32
    %c0_i32_0 = arith.constant 0 : i32
    return %arg0, %c0_i32 : i32, i32
  }
  func.func @transform_2(%arg0: i32, %arg1: i32) -> (i32, i32) {
    %c0_i32 = arith.constant 0 : i32
    %c0_i32_0 = arith.constant 0 : i32
    %c0_i32_1 = arith.constant 0 : i32
    return %c0_i32, %c0_i32_0 : i32, i32
  }
  func.func @transform_3(%arg0: i32, %arg1: i32) -> (i32, i32) {
    %c0_i32 = arith.constant 0 : i32
    %c0_i32_0 = arith.constant 0 : i32
    %c0_i32_1 = arith.constant 0 : i32
    return %c0_i32, %c0_i32_0 : i32, i32
  }
  func.func @transform_4(%arg0: i32, %arg1: i32) -> i32 {
    %c0_i32 = arith.constant 0 : i32
    %c0_i32_0 = arith.constant 0 : i32
    return %c0_i32 : i32
  }
  func.func @transform_5(%arg0: i32, %arg1: i32) -> (i32, i32) {
    %c0_i32 = arith.constant 0 : i32
    %c0_i32_0 = arith.constant 0 : i32
    %c0_i32_1 = arith.constant 0 : i32
    return %c0_i32, %c0_i32_0 : i32, i32
  }
  func.func @transform_6(%arg0: i32, %arg1: i32) -> (i32, i32) {
    %c0_i32 = arith.constant 0 : i32
    %c0_i32_0 = arith.constant 0 : i32
    %c0_i32_1 = arith.constant 0 : i32
    return %c0_i32, %c0_i32_0 : i32, i32
  }
  func.func @transform_7(%arg0: i32, %arg1: i32) -> i32 {
    %c0_i32 = arith.constant 0 : i32
    %c0_i32_0 = arith.constant 0 : i32
    return %c0_i32 : i32
  }
  func.func @transform_8(%arg0: i32, %arg1: i32) -> (i32, i32) {
    %add3A = arith.constant 1 : i32
    %add3A_0 = arith.addi %arg1, %add3A : i32
    %c0_i32 = arith.constant 0 : i32
    return %arg0, %add3A_0 : i32, i32
  }
}

</mosaic_0001>

<sc_bundles>
// kernel: kernel.4.cloned.1.call-start
scs
__scs_entry_jumppad:
0x0: {  	(pc) =	sbr.rel $0x88, $3  }
0x1: {  	(tag) =	ssettag $0x0;
	lr =	simm.s32 $0x1  }
0x2: {  	[smem:$0x3F95] =	sst lr;
	_ =	strace $0xD0000000  }
0x3: {  	_ = 	snop  }
0x4: {  	_ = 	snop  }
0x5: {  	_ = 	snop  }
0x6: {  	_ = 	snop  }
0x7: {  	_ = 	snop  }
__scs_overlays_trampoline_lowered:
0x8: {  	[smem:$0x3FA4] =	sst s0  }
0x9: {  	[smem:$0x3FA5] =	sst s1  }
0xa: {  	[smem:$0x3FA6] =	sst s2  }
0xb: {  	[smem:$0x3FA7] =	sst s3  }
0xc: {  	[smem:$0x3FA8] =	sst s4  }
0xd: {  	[smem:$0x3FA9] =	sst s5  }
0xe: {  	[smem:$0x3FAA] =	sst s6  }
0xf: {  	[smem:$0x3FAB] =	sst s7  }
0x10: {  	[smem:$0x3FAC] =	sst s8  }
0x11: {  	[smem:$0x3FAD] =	sst s9;
	s0 =	simm.s32 @!p0 $0x0  }
0x12: {  	s1 =	sld [smem:$0x3F93];
	s0 =	simm.s32 @p0 $0x1  }
0x13: {  	[smem:$0x3FAE] =	sst s0;
	s0 =	simm.s32 @!p1 $0x0  }
0x14: {  	s2 =	sld [smem:$0x3F92];
	s0 =	simm.s32 @p1 $0x1  }
0x15: {  	[smem:$0x3FAF] =	sst s0;
	s0 =	simm.s32 @!p2 $0x0  }
0x16: {  	s3 =	sld [smem:$0x3FDB];
	s0 =	simm.s32 @p2 $0x1  }
0x17: {  	s4 =	simm.s32 $0x1BF5;
	[smem:$0x3FB1] =	sst s0  }
0x18: {  	s0 =	sld [smem:$0x3F94];
	_ =	swait.ge [sflag:s4], $0x0  }
0x19: {  	s7 =	sld [smem:$0x3F95]  }
0x1a: {  	s8 =	sadd.s32 $0xFFFFE003, lr  }
0x1b: {  	s9 =	sadd.s32 $0xFFFFFEF7, lr;
	s5 =	simm.s32 $0xFFFFFFFF;
	p2 =	slt.u32 s8, $0xFFFFF086  }
0x1c: {  	p1 =	slt.u32 s9, $0xF7A;
	s5 =	simm.s32 @!p2 $0x0  }
0x1d: {  	s5 =	simm.s32 @p1 $0x1;
	p0 =	seq.s32 s7, s2  }
0x1e: {  	s7 =	smul.u32 @!p0 $0xF7A, s2;
	p2 =	seq.s32 @!p0 s5, $0x0  }
0x1f: {  	s9 =	smul.u32 $0xF7A, s1;
	s8 =	simm.s32 @!p0 $0x1BF5;
	p2 =	por !p2, p0  }
0x20: {  	[sflag:s8] =	ssyncset.s32 @!p0 $0xFFFFF086;
	s6 =	sadd.s32 @!p0 s3, s7;
	s7 =	simm.s32 @!p0 $0x108  }
0x21: {  	s3 =	sadd.s32 s3, s9;
	s6 =	sadd.s32 @!p0 $0x88, s6;
	s7 =	simm.s32 @p2 $0x1082  }
0x22: {  	[simem:s7], [sflag:s8] =	dma.local @!p0 [hbm:s6], $0xF7A  }
0x23: {  	s9 =	sor.u32 $0xD0000000, s2;
	s6 =	simm.s32 $0x108;
	_ =	swait.ge @!p0 [sflag:s8], $0x0  }
0x24: {  	s3 =	sadd.s32 $0x88, s3;
	s6 =	simm.s32 @!p1 $0x1082;
	[sflag:s4] =	ssyncset.s32 $0xFFFFF086  }
0x25: {  	[simem:s6], [sflag:s4] =	dma.local [hbm:s3], $0xF7A  }
0x26: {  	[smem:$0x3F95] =	sst s1;
	(tag) =	ssettag s2;
	_ =	strace s9  }
0x27: {  	s1 =	sld [smem:$0x3FA5]  }
0x28: {  	s2 =	sld [smem:$0x3FA6]  }
0x29: {  	s4 =	sld [smem:$0x3FA8]  }
0x2a: {  	p0 =	seq.s32 s5, $0x0;
	s5 =	sld [smem:$0x3FA9]  }
0x2b: {  	s6 =	sld [smem:$0x3FAA]  }
0x2c: {  	s7 =	sld [smem:$0x3FAB]  }
0x2d: {  	s3 =	simm.s32 $0x108;
	s8 =	sld [smem:$0x3FAC]  }
0x2e: {  	s3 =	simm.s32 @!p0 $0x1082;
	s9 =	sld [smem:$0x3FAD]  }
0x2f: {  	lr =	sadd.s32 s0, s3;
	s0 =	sld [smem:$0x3FA4]  }
0x30: {  	s3 =	sld [smem:$0x3FA7]  }
0x31: {  	[smem:$0x3FB0] =	sst s10  }
0x32: {  	s10 =	sld [smem:$0x3FAE];
	_ =	sdelay $0x3  }
0x33: {  	p0 =	seq.s32 s10, $0x1;
	s10 =	sld [smem:$0x3FB0];
	_ =	sdelay $0x3  }
0x34: {  	[smem:$0x3FB0] =	sst s10  }
0x35: {  	s10 =	sld [smem:$0x3FAF];
	_ =	sdelay $0x3  }
0x36: {  	p1 =	seq.s32 s10, $0x1;
	s10 =	sld [smem:$0x3FB0];
	_ =	sdelay $0x3  }
0x37: {  	[smem:$0x3FB0] =	sst s10  }
0x38: {  	s10 =	sld [smem:$0x3FB1]  }
0x39: {  	_ = 	snop;
	(pc) =	sbr.ind lr, $3  }
0x3a: {  	_ = 	snop  }
0x3b: {  	_ = 	snop  }
0x3c: {  	p2 =	seq.s32 s10, $0x1;
	s10 =	sld [smem:$0x3FB0]  }
0x3d: {  	_ =	shalt  }
0x3e: {  	_ =	shalt  }
0x3f: {  	_ =	shalt  }
0x40: {  	_ =	shalt  }
0x41: {  	_ =	shalt  }
0x42: {  	_ =	shalt  }
0x43: {  	_ =	shalt  }
0x44: {  	_ =	shalt  }
0x45: {  	_ =	shalt  }
0x46: {  	_ =	shalt  }
0x47: {  	_ =	shalt  }
0x48: {  	_ =	shalt  }
0x49: {  	_ =	shalt  }
0x4a: {  	_ =	shalt  }
0x4b: {  	_ =	shalt  }
0x4c: {  	_ =	shalt  }
0x4d: {  	_ =	shalt  }
0x4e: {  	_ =	shalt  }
0x4f: {  	_ =	shalt  }
0x50: {  	_ =	shalt  }
0x51: {  	_ =	shalt  }
0x52: {  	_ =	shalt  }
0x53: {  	_ =	shalt  }
0x54: {  	_ =	shalt  }
0x55: {  	_ =	shalt  }
0x56: {  	_ =	shalt  }
0x57: {  	_ =	shalt  }
0x58: {  	_ =	shalt  }
0x59: {  	_ =	shalt  }
0x5a: {  	_ =	shalt  }
0x5b: {  	_ =	shalt  }
0x5c: {  	_ =	shalt  }
0x5d: {  	_ =	shalt  }
0x5e: {  	_ =	shalt  }
0x5f: {  	_ =	shalt  }
0x60: {  	_ =	shalt  }
0x61: {  	_ =	shalt  }
0x62: {  	_ =	shalt  }
0x63: {  	_ =	shalt  }
0x64: {  	_ =	shalt  }
0x65: {  	_ =	shalt  }
0x66: {  	_ =	shalt  }
0x67: {  	_ =	shalt  }
0x68: {  	_ =	shalt  }
0x69: {  	_ =	shalt  }
0x6a: {  	_ =	shalt  }
0x6b: {  	_ =	shalt  }
0x6c: {  	_ =	shalt  }
0x6d: {  	_ =	shalt  }
0x6e: {  	_ =	shalt  }
0x6f: {  	_ =	shalt  }
0x70: {  	_ =	shalt  }
0x71: {  	_ =	shalt  }
0x72: {  	_ =	shalt  }
0x73: {  	_ =	shalt  }
0x74: {  	_ =	shalt  }
0x75: {  	_ =	shalt  }
0x76: {  	_ =	shalt  }
0x77: {  	_ =	shalt  }
0x78: {  	_ =	shalt  }
0x79: {  	_ =	shalt  }
0x7a: {  	_ =	shalt  }
0x7b: {  	_ =	shalt  }
0x7c: {  	_ =	shalt  }
0x7d: {  	_ =	shalt  }
0x7e: {  	_ =	shalt  }
0x7f: {  	_ =	shalt  }
0x80: {  	_ =	shalt  }
0x81: {  	_ =	shalt  }
0x82: {  	_ =	shalt  }
0x83: {  	_ =	shalt  }
0x84: {  	_ =	shalt  }
0x85: {  	_ =	shalt  }
0x86: {  	_ =	shalt  }
0x87: {  	_ =	shalt  }
.Lfunc_end0:
.L_simem_size_0:
called_computation_lowered:
.L_overlay_start_0:
0x88: {  	s2 =	sld [smem:$0x3FD9]  }
0x89: {  	s3 =	sld [smem:$0x3FFE];
	_ =	sdelay $0x1  }
0x8a: {  	s1 =	srdreg.scid  }
0x8b: {  	s0 =	sand.u32 $0x1, s1  }
0x8c: {  	s18 =	sshll.u32 s0, $0xA;
	s2 =	sadd.s32 s3, s2  }
0x8d: {  	s2 =	sadd.s32 s2, s18  }
0x8e: {  	[smem:$0x3FBC] =	sst s2  }
0x8f: {  	_ = 	snop  }
0x90: {  	s2 =	sld [smem:$0x3FC9]  }
0x91: {  	s19 =	sld [smem:$0x3FC6]  }
0x92: {  	s4 =	sld [smem:$0x3FD0];
	(tm) =	ssettm $0x1  }
0x93: {  	s5 =	sld [smem:$0x3FFB];
	_ =	sdelay $0x3  }
0x94: {  	_ =	strace s5  }
0x95: {  	s5 =	sld [smem:$0x3FFC];
	_ =	sdelay $0x3  }
0x96: {  	_ =	strace s5  }
0x97: {  	s5 =	sld [smem:$0x3FFD];
	_ =	sdelay $0x3  }
0x98: {  	_ =	strace s5  }
0x99: {  	_ =	strace $0x8FFFFFFF  }
0x9a: {  	s20 =	sld [smem:$0x3FDB];
	_ =	sdelay $0x1  }
0x9b: {  	s6 =	simm.s32 $_scs_section_size  }
0x9c: {  	s7 =	simm.s32 $_size__tile_overlayer_lowered;
	s8 =	simm.s32 $_tile_overlayer_lowered  }
0x9d: {  	s23 =	simm.s32 $0x1BFF;
	s22 =	sshll.u32 s8, $0x1;
	s5 =	sadd.s32 s6, s20  }
0x9e: {  	s9 =	simm.s32 $0x0;
	s21 =	sshll.u32 s7, $0x1;
	s7 =	sadd.s32 s22, s5  }
0x9f: {  	[timem:s9], [sflag:s23] =	dma.local [hbm:s7], s21  }
0xa0: {  	_ =	swait.ge [sflag:s23], s21  }
0xa1: {  	s6 =	ssub.s32 $0x0, s21;
	[sflag:s23] =	ssyncset.done $0x0  }
0xa2: {  	[sflag:s23] =	ssyncadd.s32 s6;
	_ =	sdelay $0x1  }
0xa3: {  	s24 =	simm.s32 $0x1B8B  }
0xa4: {  	_ =	swait.ge [sflag:s24], $0x1  }
0xa5: {  	[sflag:s24] =	ssyncset.done $0x0  }
0xa6: {  	s25 =	simm.s32 $0x1B8E;
	[sflag:s24] =	ssyncadd.s32 $0xFFFFFFFF  }
0xa7: {  	s26 =	simm.s32 $execute0_lowered;
	[smem:$0x3FD2] =	sst s25  }
0xa8: {  	s6 =	sshll.u32 s26, $0x1;
	_ =	strace $0x80000046;
	[dreg:$0x1] =	wrdreg $0xFFFFFFFF  }
0xa9: {  	s28 =	simm.s32 $_size_execute0_lowered;
	s5 =	sadd.s32 s5, s6;
	[dreg:$0x0] =	wrdreg $0x0  }
0xaa: {  	s6 =	sshll.u32 s28, $0x1;
	[dreg:$0x2] =	wrdreg s5  }
0xab: {  	[dreg:$0x3] =	wrdreg s6  }
0xac: {  	[dreg:$0x4] =	wrdreg $0xC0  }
0xad: {  	_ =	task [dreg:s9], $0x5FFFF  }
0xae: {  	[dreg:$0x1] =	wrdreg $0xFFFFFFFF  }
0xaf: {  	[dreg:$0x0] =	wrdreg $0x60  }
0xb0: {  	[dreg:$0x2] =	wrdreg s19  }
0xb1: {  	[dreg:$0x3] =	wrdreg s2  }
0xb2: {  	[dreg:$0x4] =	wrdreg s4  }
0xb3: {  	[dreg:$0x5] =	wrdreg $0x9  }
0xb4: {  	_ =	task.clear_ibuf [dreg:s9], $0x6FFFF;
	_ =	strace $0x90000046  }
0xb5: {  	s29 =	simm.s32 $0x9;
	_ =	strace $0x80000048  }
0xb6: {  	_ =	swait.ge [sflag:s29], $0x1  }
0xb7: {  	[sflag:s29] =	ssyncadd.s32 $0xFFFFFFFF  }
0xb8: {  	_ =	strace $0x90000048  }
0xb9: {  	_ =	sfence  }
0xba: {  	s30 =	sld [smem:$0x0];
	_ =	sdelay $0x2  }
0xbb: {  	s31 =	sshll.u32 s1, $0xD;
	s1 =	sshrl.u32 s1, $0x2  }
0xbc: {  	s3 =	sand.u32 $0x4000, s31;
	s1 =	sadd.s32 s1, s30  }
0xbd: {  	s0 =	sor.u32 s3, s0;
	s1 =	sshll.u32 s1, $0x11  }
0xbe: {  	s0 =	sor.u32 s1, s0  }
0xbf: {  	s0 =	sadd.s32 $0x8F2B, s0  }
0xc0: {  	[sflag:s0] =	ssyncadd.remote.s32 $0x1  }
0xc1: {  	_ =	sfence.sel $0xFFFF  }
0xc2: {  	[dreg:$0x0] =	wrdreg $0xFFFFFFFF;
	(pc) =	sbr.abs _section_cstart, $3  }
0xc3: {  	[dreg:$0x1] =	wrdreg $0xFFFFFFFF  }
0xc4: {  	_ =	task.clear_ibuf [dreg:s9], $0x2FFFF;
	_ =	strace $0x9FFFFFFF  }
0xc5: {  	(tm) =	ssettm $0x7FFFFFFF  }
tec
execute0_lowered:
.L_overlay_start_1:
0x0: {  	(tag) =	ssettag $0x1  }
0x1: {  	s2 =	srdreg.scid  }
0x2: {  	s1 =	rddreg [dreg:$0x0];
	s0 =	stileid.u32;
	s2 =	sand.u32 $0x1, s2  }
0x3: {  	s4 =	rddreg [dreg:$0x1];
	s3 =	sshll.u32 s0, $0x7;
	s5 =	sshll.u32 s2, $0x6  }
0x4: {  	s6 =	rddreg [dreg:$0x2];
	s5 =	sor.u32 s5, s3;
	s3 =	simm.s32 $0x0  }
0x5: {  	[smem:$0x7FF] =	sst s3;
	s4 =	sadd.s32 s4, s5  }
0x6: {  	s18 =	simm.s32 $0x8A00;
	_ =	strace $0x80000047;
	[dreg:$0x4] =	wrdreg s4  }
0x7: {  	s19 =	simm.s32 $0x9200;
	[dreg:$0x9] =	wrdreg s18  }
0x8: {  	s20 =	simm.s32 $0x9A00;
	[dreg:$0xa] =	wrdreg s19  }
0x9: {  	s21 =	simm.s32 $0xA200;
	[dreg:$0xb] =	wrdreg s20  }
0xa: {  	s22 =	simm.s32 $0xAA00;
	[dreg:$0xc] =	wrdreg s21  }
0xb: {  	s23 =	simm.s32 $0xB200;
	s24 =	simm.s32 $0xBA00;
	[dreg:$0xd] =	wrdreg s22  }
0xc: {  	s25 =	simm.s32 $0xC200;
	s9 =	simm.s32 $0xEA00;
	[dreg:$0xe] =	wrdreg s23  }
0xd: {  	s10 =	simm.s32 $0xF200;
	s11 =	simm.s32 $0xFA00;
	[dreg:$0xf] =	wrdreg s24  }
0xe: {  	s12 =	simm.s32 $0x10A00;
	s0 =	simm.s32 $0xCA00;
	[dreg:$0x10] =	wrdreg s25  }
0xf: {  	s28 =	simm.s32 $0x2;
	s29 =	simm.s32 $0x4;
	[dreg:$0x11] =	wrdreg s0  }
0x10: {  	s30 =	simm.s32 $0x3;
	s31 =	simm.s32 $0x5;
	[dreg:$0x15] =	wrdreg s9  }
0x11: {  	s2 =	ssub.s32 $0x2, s2;
	s7 =	smul.u32 $0x1400, s5;
	[dreg:$0x16] =	wrdreg s10  }
0x12: {  	s26 =	sshrl.u32 s2, $0x1;
	s8 =	smul.u32 $0x280, s5;
	[dreg:$0x17] =	wrdreg s11  }
0x13: {  	s2 =	ssub.s32 s2, s26;
	s26 =	simm.s32 $0x17A00;
	[dreg:$0x18] =	wrdreg s12  }
0x14: {  	s4 =	smax.u32 s2, $0x1;
	s18 =	simm.s32 $0x13A00;
	[smem:$0x7FD] =	sst s26  }
0x15: {  	s19 =	simm.s32 $0x14200;
	s20 =	simm.s32 $0x14A00;
	[dreg:$0x1e] =	wrdreg s18  }
0x16: {  	s21 =	simm.s32 $0x15200;
	s22 =	simm.s32 $0x15A00;
	[dreg:$0x1f] =	wrdreg s19  }
0x17: {  	s23 =	simm.s32 $0x16200;
	s24 =	simm.s32 $0x16A00;
	[smem:$0x7F7] =	sst s20  }
0x18: {  	s25 =	simm.s32 $0x17200;
	s2 =	simm.s32 $0x6;
	[smem:$0x7F8] =	sst s21  }
0x19: {  	s9 =	simm.s32 $0x1200;
	s10 =	simm.s32 $0x1A00;
	[smem:$0x7F9] =	sst s22  }
0x1a: {  	s11 =	simm.s32 $0x2200;
	s12 =	simm.s32 $0x2A00;
	[smem:$0x7FA] =	sst s23  }
0x1b: {  	s26 =	simm.s32 $0x8200;
	s13 =	sshrl.u32 s7, $0x3;
	[smem:$0x7FB] =	sst s24  }
0x1c: {  	s14 =	sadd.s32 s6, s8;
	s7 =	simm.s32 $0xDA00;
	[smem:$0x7FC] =	sst s25  }
0x1d: {  	s8 =	simm.s32 $0xE200;
	s23 =	simm.s32 $0x1;
	[dreg:$0x5] =	wrdreg s14  }
0x1e: {  	s24 =	simm.s32 $0x800;
	s25 =	simm.s32 $0x1400;
	[dreg:$0x13] =	wrdreg s7  }
0x1f: {  	s5 =	sadd.s32 s6, s13;
	s6 =	simm.s32 $0xD200;
	[dreg:$0x14] =	wrdreg s8  }
0x20: {  	s18 =	simm.s32 $0x5A00;
	s13 =	simm.s32 $0x11200;
	[dreg:$0x12] =	wrdreg s6  }
0x21: {  	s19 =	simm.s32 $0x6200;
	s14 =	simm.s32 $0x11A00;
	[dreg:$0x19] =	wrdreg s13  }
0x22: {  	s20 =	simm.s32 $0x6A00;
	s15 =	sadd.s32 $0x2800, s5;
	[dreg:$0x1a] =	wrdreg s14  }
0x23: {  	s21 =	simm.s32 $0x7200;
	s16 =	sadd.s32 $0x5000, s5;
	[dreg:$0x6] =	wrdreg s15  }
0x24: {  	s22 =	simm.s32 $0x7A00;
	s17 =	sadd.s32 $0x7800, s5;
	[dreg:$0x7] =	wrdreg s16  }
0x25: {  	s8 =	simm.s32 $0xA00;
	[dreg:$0x8] =	wrdreg s17;
	s15 =	simm.s32 $0x12200  }
0x26: {  	s6 =	simm.s32 $0x200;
	s16 =	simm.s32 $0x12A00;
	[dreg:$0x1b] =	wrdreg s15  }
0x27: {  	v2 =	vlaneseq.u32;
	s13 =	simm.s32 $0x3200;
	s17 =	simm.s32 $0x13200;
	[dreg:$0x1c] =	wrdreg s16  }
0x28: {  	vm0 =	vmmov $0xffff;
	v1 =	vshrl.u32 v2, $0x3;
	s14 =	simm.s32 $0x3A00;
	s5 =	simm.s32 $0x10200;
	[dreg:$0x1d] =	wrdreg s17  }
0x29: {  	v0 =	vand.u32 $0x7, v2;
	v2 =	vor.u32 $0x8, v2;
	v1 =	vmul.u32 $0x8, v1;
	s15 =	simm.s32 $0x4200;
	s16 =	simm.s32 $0x4A00;
	s17 =	simm.s32 $0x5200  }
.LBB2_1:
0x2a: {  	s0 =	rddreg [dreg:$0x4];
	s7 =	simm.s32 $0x7  }
0x2b: {  	[tilespmem:s3], [sflag:$0x7] =	stream.linear.gather [hbm4b:s0+s3], $0x200, $0x38;
	[tilespmem:$0x18200] =	vst v63  }
0x2c: {  	_ =	swait.ge [sflag:s7], $0x200  }
0x2d: {  	[sflag:s7] =	ssyncset.done $0x0  }
0x2e: {  	[sflag:s7] =	ssyncadd.s32 $0xFFFFFE00  }
0x2f: {  	v3 =	vld [tilespmem:$0x0];
	_ =	sdelay $0x4  }
0x30: {  	v4 =	vshll.u32 v3, $0x1  }
0x31: {  	v3 =	vand.u32 $0x7, v3;
	v4 =	vand.u32 $0xFFFFFFF0, v4  }
0x32: {  	v3 =	vor.u32 v3, v4  }
0x33: {  	v4 =	vperm.xlane v3, v0;
	_ =	sdelay $0x1  }
0x34: {  	v3 =	vperm.xlane v3, v2;
	v4 =	vadd.s32 v1, v4;
	_ =	sdelay $0x1  }
0x35: {  	v3 =	vadd.s32 v1, v3;
	_ =	sdelay $0x2  }
0x36: {  	[tilespmem:s6], [sflag:$0x1] =	stream.indirect_vreg.gather [hbm4b:s1+s3], $0x80, v4, vm0, $0xb8;
	[tilespmem:$0x18200] =	vst v63  }
0x37: {  	_ = 	snop  }
0x38: {  	[tilespmem:s8], [sflag:$0x1] =	stream.indirect_vreg.gather [hbm4b:s1+s3], $0x80, v3, vm0, $0xb8;
	[tilespmem:$0x18200] =	vst v63  }
0x39: {  	v3 =	vld [tilespmem:$0x10];
	_ =	sdelay $0x4  }
0x3a: {  	v33 =	vshll.u32 v3, $0x1  }
0x3b: {  	v3 =	vand.u32 $0x7, v3;
	v4 =	vand.u32 $0xFFFFFFF0, v33  }
0x3c: {  	v3 =	vor.u32 v3, v4  }
0x3d: {  	v4 =	vperm.xlane v3, v0;
	_ =	sdelay $0x1  }
0x3e: {  	v3 =	vperm.xlane v3, v2;
	v4 =	vadd.s32 v1, v4;
	_ =	sdelay $0x1  }
0x3f: {  	v3 =	vadd.s32 v1, v3;
	_ =	sdelay $0x2  }
0x40: {  	[tilespmem:s9], [sflag:$0x1] =	stream.indirect_vreg.gather [hbm4b:s1+s3], $0x80, v4, vm0, $0xb8;
	[tilespmem:$0x18200] =	vst v63  }
0x41: {  	_ = 	snop  }
0x42: {  	[tilespmem:s10], [sflag:$0x1] =	stream.indirect_vreg.gather [hbm4b:s1+s3], $0x80, v3, vm0, $0xb8;
	[tilespmem:$0x18200] =	vst v63  }
0x43: {  	v3 =	vld [tilespmem:$0x20];
	_ =	sdelay $0x4  }
0x44: {  	v34 =	vshll.u32 v3, $0x1  }
0x45: {  	v3 =	vand.u32 $0x7, v3;
	v4 =	vand.u32 $0xFFFFFFF0, v34  }
0x46: {  	v3 =	vor.u32 v3, v4  }
0x47: {  	v4 =	vperm.xlane v3, v0;
	_ =	sdelay $0x1  }
0x48: {  	v3 =	vperm.xlane v3, v2;
	v4 =	vadd.s32 v1, v4;
	_ =	sdelay $0x1  }
0x49: {  	v3 =	vadd.s32 v1, v3;
	_ =	sdelay $0x2  }
0x4a: {  	[tilespmem:s11], [sflag:$0x1] =	stream.indirect_vreg.gather [hbm4b:s1+s3], $0x80, v4, vm0, $0xb8;
	[tilespmem:$0x18200] =	vst v63  }
0x4b: {  	_ = 	snop  }
0x4c: {  	[tilespmem:s12], [sflag:$0x1] =	stream.indirect_vreg.gather [hbm4b:s1+s3], $0x80, v3, vm0, $0xb8;
	[tilespmem:$0x18200] =	vst v63  }
0x4d: {  	v3 =	vld [tilespmem:$0x30];
	_ =	sdelay $0x4  }
0x4e: {  	v35 =	vshll.u32 v3, $0x1  }
0x4f: {  	v3 =	vand.u32 $0x7, v3;
	v4 =	vand.u32 $0xFFFFFFF0, v35  }
0x50: {  	v3 =	vor.u32 v3, v4  }
0x51: {  	v4 =	vperm.xlane v3, v0;
	_ =	sdelay $0x1  }
0x52: {  	v3 =	vperm.xlane v3, v2;
	v4 =	vadd.s32 v1, v4;
	_ =	sdelay $0x1  }
0x53: {  	v3 =	vadd.s32 v1, v3;
	_ =	sdelay $0x2  }
0x54: {  	[tilespmem:s13], [sflag:$0x1] =	stream.indirect_vreg.gather [hbm4b:s1+s3], $0x80, v4, vm0, $0xb8;
	[tilespmem:$0x18200] =	vst v63  }
0x55: {  	_ = 	snop  }
0x56: {  	[tilespmem:s14], [sflag:$0x1] =	stream.indirect_vreg.gather [hbm4b:s1+s3], $0x80, v3, vm0, $0xb8;
	[tilespmem:$0x18200] =	vst v63  }
0x57: {  	v3 =	vld [tilespmem:$0x40];
	_ =	sdelay $0x4  }
0x58: {  	v36 =	vshll.u32 v3, $0x1  }
0x59: {  	v3 =	vand.u32 $0x7, v3;
	v4 =	vand.u32 $0xFFFFFFF0, v36  }
0x5a: {  	v3 =	vor.u32 v3, v4  }
0x5b: {  	v4 =	vperm.xlane v3, v0;
	_ =	sdelay $0x1  }
0x5c: {  	v3 =	vperm.xlane v3, v2;
	v4 =	vadd.s32 v1, v4;
	_ =	sdelay $0x1  }
0x5d: {  	v3 =	vadd.s32 v1, v3;
	_ =	sdelay $0x2  }
0x5e: {  	[tilespmem:s15], [sflag:$0x1] =	stream.indirect_vreg.gather [hbm4b:s1+s3], $0x80, v4, vm0, $0xb8;
	[tilespmem:$0x18200] =	vst v63  }
0x5f: {  	_ = 	snop  }
0x60: {  	[tilespmem:s16], [sflag:$0x1] =	stream.indirect_vreg.gather [hbm4b:s1+s3], $0x80, v3, vm0, $0xb8;
	[tilespmem:$0x18200] =	vst v63  }
0x61: {  	v3 =	vld [tilespmem:$0x50];
	_ =	sdelay $0x4  }
0x62: {  	v37 =	vshll.u32 v3, $0x1  }
0x63: {  	v3 =	vand.u32 $0x7, v3;
	v4 =	vand.u32 $0xFFFFFFF0, v37  }
0x64: {  	v3 =	vor.u32 v3, v4  }
0x65: {  	v4 =	vperm.xlane v3, v0;
	_ =	sdelay $0x1  }
0x66: {  	v3 =	vperm.xlane v3, v2;
	v4 =	vadd.s32 v1, v4;
	_ =	sdelay $0x1  }
0x67: {  	v3 =	vadd.s32 v1, v3;
	_ =	sdelay $0x2  }
0x68: {  	[tilespmem:s17], [sflag:$0x1] =	stream.indirect_vreg.gather [hbm4b:s1+s3], $0x80, v4, vm0, $0xb8;
	[tilespmem:$0x18200] =	vst v63  }
0x69: {  	_ = 	snop  }
0x6a: {  	[tilespmem:s18], [sflag:$0x1] =	stream.indirect_vreg.gather [hbm4b:s1+s3], $0x80, v3, vm0, $0xb8;
	[tilespmem:$0x18200] =	vst v63  }
0x6b: {  	v3 =	vld [tilespmem:$0x60];
	_ =	sdelay $0x4  }
0x6c: {  	v38 =	vshll.u32 v3, $0x1  }
0x6d: {  	v3 =	vand.u32 $0x7, v3;
	v4 =	vand.u32 $0xFFFFFFF0, v38  }
0x6e: {  	v3 =	vor.u32 v3, v4  }
0x6f: {  	v4 =	vperm.xlane v3, v0;
	_ =	sdelay $0x1  }
0x70: {  	v3 =	vperm.xlane v3, v2;
	v4 =	vadd.s32 v1, v4;
	_ =	sdelay $0x1  }
0x71: {  	v3 =	vadd.s32 v1, v3;
	_ =	sdelay $0x2  }
0x72: {  	[tilespmem:s19], [sflag:$0x1] =	stream.indirect_vreg.gather [hbm4b:s1+s3], $0x80, v4, vm0, $0xb8;
	[tilespmem:$0x18200] =	vst v63  }
0x73: {  	_ = 	snop  }
0x74: {  	[tilespmem:s20], [sflag:$0x1] =	stream.indirect_vreg.gather [hbm4b:s1+s3], $0x80, v3, vm0, $0xb8;
	[tilespmem:$0x18200] =	vst v63  }
0x75: {  	v3 =	vld [tilespmem:$0x70];
	_ =	sdelay $0x4  }
0x76: {  	v39 =	vshll.u32 v3, $0x1  }
0x77: {  	v3 =	vand.u32 $0x7, v3;
	v4 =	vand.u32 $0xFFFFFFF0, v39  }
0x78: {  	v3 =	vor.u32 v3, v4  }
0x79: {  	v4 =	vperm.xlane v3, v0;
	_ =	sdelay $0x1  }
0x7a: {  	v3 =	vperm.xlane v3, v2;
	v4 =	vadd.s32 v1, v4;
	_ =	sdelay $0x1  }
0x7b: {  	v3 =	vadd.s32 v1, v3;
	_ =	sdelay $0x2  }
0x7c: {  	[tilespmem:s21], [sflag:$0x1] =	stream.indirect_vreg.gather [hbm4b:s1+s3], $0x80, v4, vm0, $0xb8;
	[tilespmem:$0x18200] =	vst v63  }
0x7d: {  	_ = 	snop  }
0x7e: {  	[tilespmem:s22], [sflag:$0x1] =	stream.indirect_vreg.gather [hbm4b:s1+s3], $0x80, v3, vm0, $0xb8;
	[tilespmem:$0x18200] =	vst v63  }
0x7f: {  	v3 =	vld [tilespmem:$0x80];
	_ =	sdelay $0x4  }
0x80: {  	v40 =	vshll.u32 v3, $0x1  }
0x81: {  	v3 =	vand.u32 $0x7, v3;
	v4 =	vand.u32 $0xFFFFFFF0, v40  }
0x82: {  	v3 =	vor.u32 v3, v4  }
0x83: {  	v4 =	vperm.xlane v3, v0;
	_ =	sdelay $0x1  }
0x84: {  	v3 =	vperm.xlane v3, v2;
	v4 =	vadd.s32 v1, v4;
	_ =	sdelay $0x1  }
0x85: {  	v3 =	vadd.s32 v1, v3;
	_ =	sdelay $0x2  }
0x86: {  	[tilespmem:s26], [sflag:$0x2] =	stream.indirect_vreg.gather [hbm4b:s1+s3], $0x80, v4, vm0, $0xb8;
	[tilespmem:$0x18200] =	vst v63  }
0x87: {  	s7 =	rddreg [dreg:$0x9]  }
0x88: {  	[tilespmem:s7], [sflag:$0x2] =	stream.indirect_vreg.gather [hbm4b:s1+s3], $0x80, v3, vm0, $0xb8;
	[tilespmem:$0x18200] =	vst v63  }
0x89: {  	v3 =	vld [tilespmem:$0x90];
	_ =	sdelay $0x4  }
0x8a: {  	v41 =	vshll.u32 v3, $0x1  }
0x8b: {  	v3 =	vand.u32 $0x7, v3;
	v4 =	vand.u32 $0xFFFFFFF0, v41  }
0x8c: {  	v3 =	vor.u32 v3, v4  }
0x8d: {  	v4 =	vperm.xlane v3, v0;
	_ =	sdelay $0x1  }
0x8e: {  	v3 =	vperm.xlane v3, v2;
	v4 =	vadd.s32 v1, v4;
	_ =	sdelay $0x1  }
0x8f: {  	v3 =	vadd.s32 v1, v3;
	_ =	sdelay $0x1  }
0x90: {  	s0 =	rddreg [dreg:$0xa]  }
0x91: {  	[tilespmem:s0], [sflag:$0x2] =	stream.indirect_vreg.gather [hbm4b:s1+s3], $0x80, v4, vm0, $0xb8;
	[tilespmem:$0x18200] =	vst v63  }
0x92: {  	s7 =	rddreg [dreg:$0xb]  }
0x93: {  	[tilespmem:s7], [sflag:$0x2] =	stream.indirect_vreg.gather [hbm4b:s1+s3], $0x80, v3, vm0, $0xb8;
	[tilespmem:$0x18200] =	vst v63  }
0x94: {  	v3 =	vld [tilespmem:$0xA0];
	_ =	sdelay $0x4  }
0x95: {  	v42 =	vshll.u32 v3, $0x1  }
0x96: {  	v3 =	vand.u32 $0x7, v3;
	v4 =	vand.u32 $0xFFFFFFF0, v42  }
0x97: {  	v3 =	vor.u32 v3, v4  }
0x98: {  	v4 =	vperm.xlane v3, v0;
	_ =	sdelay $0x1  }
0x99: {  	v3 =	vperm.xlane v3, v2;
	v4 =	vadd.s32 v1, v4;
	_ =	sdelay $0x1  }
0x9a: {  	v3 =	vadd.s32 v1, v3;
	_ =	sdelay $0x1  }
0x9b: {  	s0 =	rddreg [dreg:$0xc]  }
0x9c: {  	[tilespmem:s0], [sflag:$0x2] =	stream.indirect_vreg.gather [hbm4b:s1+s3], $0x80, v4, vm0, $0xb8;
	[tilespmem:$0x18200] =	vst v63  }
0x9d: {  	s7 =	rddreg [dreg:$0xd]  }
0x9e: {  	[tilespmem:s7], [sflag:$0x2] =	stream.indirect_vreg.gather [hbm4b:s1+s3], $0x80, v3, vm0, $0xb8;
	[tilespmem:$0x18200] =	vst v63  }
0x9f: {  	v3 =	vld [tilespmem:$0xB0];
	_ =	sdelay $0x4  }
0xa0: {  	v43 =	vshll.u32 v3, $0x1  }
0xa1: {  	v3 =	vand.u32 $0x7, v3;
	v4 =	vand.u32 $0xFFFFFFF0, v43  }
0xa2: {  	v3 =	vor.u32 v3, v4  }
0xa3: {  	v4 =	vperm.xlane v3, v0;
	_ =	sdelay $0x1  }
0xa4: {  	v3 =	vperm.xlane v3, v2;
	v4 =	vadd.s32 v1, v4;
	_ =	sdelay $0x1  }
0xa5: {  	v3 =	vadd.s32 v1, v3;
	_ =	sdelay $0x1  }
0xa6: {  	s0 =	rddreg [dreg:$0xe]  }
0xa7: {  	[tilespmem:s0], [sflag:$0x2] =	stream.indirect_vreg.gather [hbm4b:s1+s3], $0x80, v4, vm0, $0xb8;
	[tilespmem:$0x18200] =	vst v63  }
0xa8: {  	s7 =	rddreg [dreg:$0xf]  }
0xa9: {  	[tilespmem:s7], [sflag:$0x2] =	stream.indirect_vreg.gather [hbm4b:s1+s3], $0x80, v3, vm0, $0xb8;
	[tilespmem:$0x18200] =	vst v63  }
0xaa: {  	v3 =	vld [tilespmem:$0xC0];
	_ =	sdelay $0x4  }
0xab: {  	v44 =	vshll.u32 v3, $0x1  }
0xac: {  	v3 =	vand.u32 $0x7, v3;
	v4 =	vand.u32 $0xFFFFFFF0, v44  }
0xad: {  	v3 =	vor.u32 v3, v4  }
0xae: {  	v4 =	vperm.xlane v3, v0;
	_ =	sdelay $0x1  }
0xaf: {  	v3 =	vperm.xlane v3, v2;
	v4 =	vadd.s32 v1, v4;
	_ =	sdelay $0x1  }
0xb0: {  	v3 =	vadd.s32 v1, v3;
	_ =	sdelay $0x1  }
0xb1: {  	s0 =	rddreg [dreg:$0x10]  }
0xb2: {  	[tilespmem:s0], [sflag:$0x2] =	stream.indirect_vreg.gather [hbm4b:s1+s3], $0x80, v4, vm0, $0xb8;
	[tilespmem:$0x18200] =	vst v63  }
0xb3: {  	s7 =	rddreg [dreg:$0x11]  }
0xb4: {  	[tilespmem:s7], [sflag:$0x2] =	stream.indirect_vreg.gather [hbm4b:s1+s3], $0x80, v3, vm0, $0xb8;
	[tilespmem:$0x18200] =	vst v63  }
0xb5: {  	v3 =	vld [tilespmem:$0xD0];
	_ =	sdelay $0x4  }
0xb6: {  	v45 =	vshll.u32 v3, $0x1  }
0xb7: {  	v3 =	vand.u32 $0x7, v3;
	v4 =	vand.u32 $0xFFFFFFF0, v45  }
0xb8: {  	v3 =	vor.u32 v3, v4  }
0xb9: {  	v4 =	vperm.xlane v3, v0;
	_ =	sdelay $0x1  }
0xba: {  	v3 =	vperm.xlane v3, v2;
	v4 =	vadd.s32 v1, v4;
	_ =	sdelay $0x1  }
0xbb: {  	v3 =	vadd.s32 v1, v3;
	_ =	sdelay $0x1  }
0xbc: {  	s0 =	rddreg [dreg:$0x12]  }
0xbd: {  	[tilespmem:s0], [sflag:$0x2] =	stream.indirect_vreg.gather [hbm4b:s1+s3], $0x80, v4, vm0, $0xb8;
	[tilespmem:$0x18200] =	vst v63  }
0xbe: {  	s7 =	rddreg [dreg:$0x13]  }
0xbf: {  	[tilespmem:s7], [sflag:$0x2] =	stream.indirect_vreg.gather [hbm4b:s1+s3], $0x80, v3, vm0, $0xb8;
	[tilespmem:$0x18200] =	vst v63  }
0xc0: {  	v3 =	vld [tilespmem:$0xE0];
	_ =	sdelay $0x4  }
0xc1: {  	v46 =	vshll.u32 v3, $0x1  }
0xc2: {  	v3 =	vand.u32 $0x7, v3;
	v4 =	vand.u32 $0xFFFFFFF0, v46  }
0xc3: {  	v3 =	vor.u32 v3, v4  }
0xc4: {  	v4 =	vperm.xlane v3, v0;
	_ =	sdelay $0x1  }
0xc5: {  	v3 =	vperm.xlane v3, v2;
	v4 =	vadd.s32 v1, v4;
	_ =	sdelay $0x1  }
0xc6: {  	v3 =	vadd.s32 v1, v3;
	_ =	sdelay $0x1  }
0xc7: {  	s0 =	rddreg [dreg:$0x14]  }
0xc8: {  	[tilespmem:s0], [sflag:$0x2] =	stream.indirect_vreg.gather [hbm4b:s1+s3], $0x80, v4, vm0, $0xb8;
	[tilespmem:$0x18200] =	vst v63  }
0xc9: {  	s7 =	rddreg [dreg:$0x15]  }
0xca: {  	[tilespmem:s7], [sflag:$0x2] =	stream.indirect_vreg.gather [hbm4b:s1+s3], $0x80, v3, vm0, $0xb8;
	[tilespmem:$0x18200] =	vst v63  }
0xcb: {  	v3 =	vld [tilespmem:$0xF0];
	_ =	sdelay $0x4  }
0xcc: {  	v47 =	vshll.u32 v3, $0x1  }
0xcd: {  	v3 =	vand.u32 $0x7, v3;
	v4 =	vand.u32 $0xFFFFFFF0, v47  }
0xce: {  	v3 =	vor.u32 v3, v4  }
0xcf: {  	v4 =	vperm.xlane v3, v0;
	_ =	sdelay $0x1  }
0xd0: {  	v3 =	vperm.xlane v3, v2;
	v4 =	vadd.s32 v1, v4;
	_ =	sdelay $0x1  }
0xd1: {  	v3 =	vadd.s32 v1, v3;
	_ =	sdelay $0x1  }
0xd2: {  	s0 =	rddreg [dreg:$0x16]  }
0xd3: {  	[tilespmem:s0], [sflag:$0x2] =	stream.indirect_vreg.gather [hbm4b:s1+s3], $0x80, v4, vm0, $0xb8;
	[tilespmem:$0x18200] =	vst v63  }
0xd4: {  	s7 =	rddreg [dreg:$0x17]  }
0xd5: {  	[tilespmem:s7], [sflag:$0x2] =	stream.indirect_vreg.gather [hbm4b:s1+s3], $0x80, v3, vm0, $0xb8;
	[tilespmem:$0x18200] =	vst v63  }
0xd6: {  	_ =	swait.ge [sflag:s23], $0x8000  }
0xd7: {  	[sflag:s23] =	ssyncset.done $0x0  }
0xd8: {  	s7 =	rddreg [dreg:$0x5];
	[sflag:s23] =	ssyncadd.s32 $0xFFFF8000  }
0xd9: {  	[hbm4b:s7+s24] =	stream.strided.scatter [tilespmem:s6], [sflag:$0x4], $0x8000, s25, s24, $0x38;
	[tilespmem:$0x18200] =	vst v63  }
0xda: {  	v3 =	vld [tilespmem:$0x100];
	_ =	sdelay $0x4  }
0xdb: {  	v48 =	vshll.u32 v3, $0x1  }
0xdc: {  	v3 =	vand.u32 $0x7, v3;
	v4 =	vand.u32 $0xFFFFFFF0, v48  }
0xdd: {  	v3 =	vor.u32 v3, v4  }
0xde: {  	v4 =	vperm.xlane v3, v0;
	_ =	sdelay $0x1  }
0xdf: {  	v3 =	vperm.xlane v3, v2;
	v4 =	vadd.s32 v1, v4;
	_ =	sdelay $0x1  }
0xe0: {  	v3 =	vadd.s32 v1, v3;
	_ =	sdelay $0x2  }
0xe1: {  	[tilespmem:s5], [sflag:$0x3] =	stream.indirect_vreg.gather [hbm4b:s1+s3], $0x80, v4, vm0, $0xb8;
	[tilespmem:$0x18200] =	vst v63  }
0xe2: {  	s7 =	rddreg [dreg:$0x18]  }
0xe3: {  	[tilespmem:s7], [sflag:$0x3] =	stream.indirect_vreg.gather [hbm4b:s1+s3], $0x80, v3, vm0, $0xb8;
	[tilespmem:$0x18200] =	vst v63  }
0xe4: {  	v3 =	vld [tilespmem:$0x110];
	_ =	sdelay $0x4  }
0xe5: {  	v49 =	vshll.u32 v3, $0x1  }
0xe6: {  	v3 =	vand.u32 $0x7, v3;
	v4 =	vand.u32 $0xFFFFFFF0, v49  }
0xe7: {  	v3 =	vor.u32 v3, v4  }
0xe8: {  	v4 =	vperm.xlane v3, v0;
	_ =	sdelay $0x1  }
0xe9: {  	v3 =	vperm.xlane v3, v2;
	v4 =	vadd.s32 v1, v4;
	_ =	sdelay $0x1  }
0xea: {  	v3 =	vadd.s32 v1, v3;
	_ =	sdelay $0x1  }
0xeb: {  	s0 =	rddreg [dreg:$0x19]  }
0xec: {  	[tilespmem:s0], [sflag:$0x3] =	stream.indirect_vreg.gather [hbm4b:s1+s3], $0x80, v4, vm0, $0xb8;
	[tilespmem:$0x18200] =	vst v63  }
0xed: {  	s7 =	rddreg [dreg:$0x1a]  }
0xee: {  	[tilespmem:s7], [sflag:$0x3] =	stream.indirect_vreg.gather [hbm4b:s1+s3], $0x80, v3, vm0, $0xb8;
	[tilespmem:$0x18200] =	vst v63  }
0xef: {  	v3 =	vld [tilespmem:$0x120];
	_ =	sdelay $0x4  }
0xf0: {  	v50 =	vshll.u32 v3, $0x1  }
0xf1: {  	v3 =	vand.u32 $0x7, v3;
	v4 =	vand.u32 $0xFFFFFFF0, v50  }
0xf2: {  	v3 =	vor.u32 v3, v4  }
0xf3: {  	v4 =	vperm.xlane v3, v0;
	_ =	sdelay $0x1  }
0xf4: {  	v3 =	vperm.xlane v3, v2;
	v4 =	vadd.s32 v1, v4;
	_ =	sdelay $0x1  }
0xf5: {  	v3 =	vadd.s32 v1, v3;
	_ =	sdelay $0x1  }
0xf6: {  	s0 =	rddreg [dreg:$0x1b]  }
0xf7: {  	[tilespmem:s0], [sflag:$0x3] =	stream.indirect_vreg.gather [hbm4b:s1+s3], $0x80, v4, vm0, $0xb8;
	[tilespmem:$0x18200] =	vst v63  }
0xf8: {  	s7 =	rddreg [dreg:$0x1c]  }
0xf9: {  	[tilespmem:s7], [sflag:$0x3] =	stream.indirect_vreg.gather [hbm4b:s1+s3], $0x80, v3, vm0, $0xb8;
	[tilespmem:$0x18200] =	vst v63  }
0xfa: {  	v3 =	vld [tilespmem:$0x130];
	_ =	sdelay $0x4  }
0xfb: {  	v51 =	vshll.u32 v3, $0x1  }
0xfc: {  	v3 =	vand.u32 $0x7, v3;
	v4 =	vand.u32 $0xFFFFFFF0, v51  }
0xfd: {  	v3 =	vor.u32 v3, v4  }
0xfe: {  	v4 =	vperm.xlane v3, v0;
	_ =	sdelay $0x1  }
0xff: {  	v3 =	vperm.xlane v3, v2;
	v4 =	vadd.s32 v1, v4;
	_ =	sdelay $0x1  }
0x100: {  	v3 =	vadd.s32 v1, v3;
	_ =	sdelay $0x1  }
0x101: {  	s0 =	rddreg [dreg:$0x1d]  }
0x102: {  	[tilespmem:s0], [sflag:$0x3] =	stream.indirect_vreg.gather [hbm4b:s1+s3], $0x80, v4, vm0, $0xb8;
	[tilespmem:$0x18200] =	vst v63  }
0x103: {  	s7 =	rddreg [dreg:$0x1e]  }
0x104: {  	[tilespmem:s7], [sflag:$0x3] =	stream.indirect_vreg.gather [hbm4b:s1+s3], $0x80, v3, vm0, $0xb8;
	[tilespmem:$0x18200] =	vst v63  }
0x105: {  	v3 =	vld [tilespmem:$0x140];
	_ =	sdelay $0x4  }
0x106: {  	v52 =	vshll.u32 v3, $0x1  }
0x107: {  	v3 =	vand.u32 $0x7, v3;
	v4 =	vand.u32 $0xFFFFFFF0, v52  }
0x108: {  	v3 =	vor.u32 v3, v4  }
0x109: {  	v4 =	vperm.xlane v3, v0;
	_ =	sdelay $0x1  }
0x10a: {  	v3 =	vperm.xlane v3, v2;
	v4 =	vadd.s32 v1, v4;
	_ =	sdelay $0x1  }
0x10b: {  	v3 =	vadd.s32 v1, v3  }
0x10c: {  	s0 =	rddreg [dreg:$0x1f]  }
0x10d: {  	s7 =	sld [smem:$0x7F7]  }
0x10e: {  	[tilespmem:s0], [sflag:$0x3] =	stream.indirect_vreg.gather [hbm4b:s1+s3], $0x80, v4, vm0, $0xb8;
	[tilespmem:$0x18200] =	vst v63  }
0x10f: {  	_ = 	snop  }
0x110: {  	[tilespmem:s7], [sflag:$0x3] =	stream.indirect_vreg.gather [hbm4b:s1+s3], $0x80, v3, vm0, $0xb8;
	[tilespmem:$0x18200] =	vst v63  }
0x111: {  	v3 =	vld [tilespmem:$0x150];
	_ =	sdelay $0x4  }
0x112: {  	v53 =	vshll.u32 v3, $0x1  }
0x113: {  	v3 =	vand.u32 $0x7, v3;
	v4 =	vand.u32 $0xFFFFFFF0, v53  }
0x114: {  	v3 =	vor.u32 v3, v4  }
0x115: {  	v4 =	vperm.xlane v3, v0;
	_ =	sdelay $0x1  }
0x116: {  	v3 =	vperm.xlane v3, v2;
	v4 =	vadd.s32 v1, v4;
	_ =	sdelay $0x1  }
0x117: {  	s0 =	sld [smem:$0x7F8];
	v3 =	vadd.s32 v1, v3;
	_ =	sdelay $0x1  }
0x118: {  	s7 =	sld [smem:$0x7F9]  }
0x119: {  	[tilespmem:s0], [sflag:$0x3] =	stream.indirect_vreg.gather [hbm4b:s1+s3], $0x80, v4, vm0, $0xb8;
	[tilespmem:$0x18200] =	vst v63  }
0x11a: {  	_ = 	snop  }
0x11b: {  	[tilespmem:s7], [sflag:$0x3] =	stream.indirect_vreg.gather [hbm4b:s1+s3], $0x80, v3, vm0, $0xb8;
	[tilespmem:$0x18200] =	vst v63  }
0x11c: {  	v3 =	vld [tilespmem:$0x160];
	_ =	sdelay $0x4  }
0x11d: {  	v54 =	vshll.u32 v3, $0x1  }
0x11e: {  	v3 =	vand.u32 $0x7, v3;
	v4 =	vand.u32 $0xFFFFFFF0, v54  }
0x11f: {  	v3 =	vor.u32 v3, v4  }
0x120: {  	v4 =	vperm.xlane v3, v0;
	_ =	sdelay $0x1  }
0x121: {  	v3 =	vperm.xlane v3, v2;
	v4 =	vadd.s32 v1, v4;
	_ =	sdelay $0x1  }
0x122: {  	s0 =	sld [smem:$0x7FA];
	v3 =	vadd.s32 v1, v3;
	_ =	sdelay $0x1  }
0x123: {  	s7 =	sld [smem:$0x7FB]  }
0x124: {  	[tilespmem:s0], [sflag:$0x3] =	stream.indirect_vreg.gather [hbm4b:s1+s3], $0x80, v4, vm0, $0xb8;
	[tilespmem:$0x18200] =	vst v63  }
0x125: {  	_ = 	snop  }
0x126: {  	[tilespmem:s7], [sflag:$0x3] =	stream.indirect_vreg.gather [hbm4b:s1+s3], $0x80, v3, vm0, $0xb8;
	[tilespmem:$0x18200] =	vst v63  }
0x127: {  	v3 =	vld [tilespmem:$0x170];
	_ =	sdelay $0x4  }
0x128: {  	v55 =	vshll.u32 v3, $0x1  }
0x129: {  	v3 =	vand.u32 $0x7, v3;
	v4 =	vand.u32 $0xFFFFFFF0, v55  }
0x12a: {  	v3 =	vor.u32 v3, v4  }
0x12b: {  	v4 =	vperm.xlane v3, v0;
	_ =	sdelay $0x1  }
0x12c: {  	v3 =	vperm.xlane v3, v2;
	v4 =	vadd.s32 v1, v4;
	_ =	sdelay $0x1  }
0x12d: {  	s0 =	sld [smem:$0x7FC];
	v3 =	vadd.s32 v1, v3;
	_ =	sdelay $0x1  }
0x12e: {  	s7 =	sld [smem:$0x7FD]  }
0x12f: {  	[tilespmem:s0], [sflag:$0x3] =	stream.indirect_vreg.gather [hbm4b:s1+s3], $0x80, v4, vm0, $0xb8;
	[tilespmem:$0x18200] =	vst v63  }
0x130: {  	_ = 	snop  }
0x131: {  	[tilespmem:s7], [sflag:$0x3] =	stream.indirect_vreg.gather [hbm4b:s1+s3], $0x80, v3, vm0, $0xb8;
	[tilespmem:$0x18200] =	vst v63  }
0x132: {  	_ =	swait.ge [sflag:s28], $0x8000  }
0x133: {  	[sflag:s28] =	ssyncset.done $0x0  }
0x134: {  	s7 =	rddreg [dreg:$0x6];
	[sflag:s28] =	ssyncadd.s32 $0xFFFF8000  }
0x135: {  	[hbm4b:s7+s24] =	stream.strided.scatter [tilespmem:s26], [sflag:$0x5], $0x8000, s25, s24, $0x38;
	[tilespmem:$0x18200] =	vst v63  }
0x136: {  	_ =	swait.ge [sflag:s29], $0x8000  }
0x137: {  	[sflag:s29] =	ssyncset.done $0x0  }
0x138: {  	[sflag:s29] =	ssyncadd.s32 $0xFFFF8000  }
0x139: {  	v3 =	vld [tilespmem:$0x180];
	_ =	sdelay $0x4  }
0x13a: {  	v56 =	vshll.u32 v3, $0x1  }
0x13b: {  	v3 =	vand.u32 $0x7, v3;
	v4 =	vand.u32 $0xFFFFFFF0, v56  }
0x13c: {  	v3 =	vor.u32 v3, v4  }
0x13d: {  	v4 =	vperm.xlane v3, v0;
	_ =	sdelay $0x1  }
0x13e: {  	v3 =	vperm.xlane v3, v2;
	v4 =	vadd.s32 v1, v4;
	_ =	sdelay $0x1  }
0x13f: {  	v3 =	vadd.s32 v1, v3;
	_ =	sdelay $0x2  }
0x140: {  	[tilespmem:s6], [sflag:$0x1] =	stream.indirect_vreg.gather [hbm4b:s1+s3], $0x80, v4, vm0, $0xb8;
	[tilespmem:$0x18200] =	vst v63  }
0x141: {  	_ = 	snop  }
0x142: {  	[tilespmem:s8], [sflag:$0x1] =	stream.indirect_vreg.gather [hbm4b:s1+s3], $0x80, v3, vm0, $0xb8;
	[tilespmem:$0x18200] =	vst v63  }
0x143: {  	v3 =	vld [tilespmem:$0x190];
	_ =	sdelay $0x4  }
0x144: {  	v57 =	vshll.u32 v3, $0x1  }
0x145: {  	v3 =	vand.u32 $0x7, v3;
	v4 =	vand.u32 $0xFFFFFFF0, v57  }
0x146: {  	v3 =	vor.u32 v3, v4  }
0x147: {  	v4 =	vperm.xlane v3, v0;
	_ =	sdelay $0x1  }
0x148: {  	v3 =	vperm.xlane v3, v2;
	v4 =	vadd.s32 v1, v4;
	_ =	sdelay $0x1  }
0x149: {  	v3 =	vadd.s32 v1, v3;
	_ =	sdelay $0x2  }
0x14a: {  	[tilespmem:s9], [sflag:$0x1] =	stream.indirect_vreg.gather [hbm4b:s1+s3], $0x80, v4, vm0, $0xb8;
	[tilespmem:$0x18200] =	vst v63  }
0x14b: {  	_ = 	snop  }
0x14c: {  	[tilespmem:s10], [sflag:$0x1] =	stream.indirect_vreg.gather [hbm4b:s1+s3], $0x80, v3, vm0, $0xb8;
	[tilespmem:$0x18200] =	vst v63  }
0x14d: {  	v3 =	vld [tilespmem:$0x1A0];
	_ =	sdelay $0x4  }
0x14e: {  	v58 =	vshll.u32 v3, $0x1  }
0x14f: {  	v3 =	vand.u32 $0x7, v3;
	v4 =	vand.u32 $0xFFFFFFF0, v58  }
0x150: {  	v3 =	vor.u32 v3, v4  }
0x151: {  	v4 =	vperm.xlane v3, v0;
	_ =	sdelay $0x1  }
0x152: {  	v3 =	vperm.xlane v3, v2;
	v4 =	vadd.s32 v1, v4;
	_ =	sdelay $0x1  }
0x153: {  	v3 =	vadd.s32 v1, v3;
	_ =	sdelay $0x2  }
0x154: {  	[tilespmem:s11], [sflag:$0x1] =	stream.indirect_vreg.gather [hbm4b:s1+s3], $0x80, v4, vm0, $0xb8;
	[tilespmem:$0x18200] =	vst v63  }
0x155: {  	_ = 	snop  }
0x156: {  	[tilespmem:s12], [sflag:$0x1] =	stream.indirect_vreg.gather [hbm4b:s1+s3], $0x80, v3, vm0, $0xb8;
	[tilespmem:$0x18200] =	vst v63  }
0x157: {  	v3 =	vld [tilespmem:$0x1B0];
	_ =	sdelay $0x4  }
0x158: {  	v59 =	vshll.u32 v3, $0x1  }
0x159: {  	v3 =	vand.u32 $0x7, v3;
	v4 =	vand.u32 $0xFFFFFFF0, v59  }
0x15a: {  	v3 =	vor.u32 v3, v4  }
0x15b: {  	v4 =	vperm.xlane v3, v0;
	_ =	sdelay $0x1  }
0x15c: {  	v3 =	vperm.xlane v3, v2;
	v4 =	vadd.s32 v1, v4;
	_ =	sdelay $0x1  }
0x15d: {  	v3 =	vadd.s32 v1, v3;
	_ =	sdelay $0x2  }
0x15e: {  	[tilespmem:s13], [sflag:$0x1] =	stream.indirect_vreg.gather [hbm4b:s1+s3], $0x80, v4, vm0, $0xb8;
	[tilespmem:$0x18200] =	vst v63  }
0x15f: {  	_ = 	snop  }
0x160: {  	[tilespmem:s14], [sflag:$0x1] =	stream.indirect_vreg.gather [hbm4b:s1+s3], $0x80, v3, vm0, $0xb8;
	[tilespmem:$0x18200] =	vst v63  }
0x161: {  	v3 =	vld [tilespmem:$0x1C0];
	_ =	sdelay $0x4  }
0x162: {  	v60 =	vshll.u32 v3, $0x1  }
0x163: {  	v3 =	vand.u32 $0x7, v3;
	v4 =	vand.u32 $0xFFFFFFF0, v60  }
0x164: {  	v3 =	vor.u32 v3, v4  }
0x165: {  	v4 =	vperm.xlane v3, v0;
	_ =	sdelay $0x1  }
0x166: {  	v3 =	vperm.xlane v3, v2;
	v4 =	vadd.s32 v1, v4;
	_ =	sdelay $0x1  }
0x167: {  	v3 =	vadd.s32 v1, v3;
	_ =	sdelay $0x2  }
0x168: {  	[tilespmem:s15], [sflag:$0x1] =	stream.indirect_vreg.gather [hbm4b:s1+s3], $0x80, v4, vm0, $0xb8;
	[tilespmem:$0x18200] =	vst v63  }
0x169: {  	_ = 	snop  }
0x16a: {  	[tilespmem:s16], [sflag:$0x1] =	stream.indirect_vreg.gather [hbm4b:s1+s3], $0x80, v3, vm0, $0xb8;
	[tilespmem:$0x18200] =	vst v63  }
0x16b: {  	v3 =	vld [tilespmem:$0x1D0];
	_ =	sdelay $0x4  }
0x16c: {  	v61 =	vshll.u32 v3, $0x1  }
0x16d: {  	v3 =	vand.u32 $0x7, v3;
	v4 =	vand.u32 $0xFFFFFFF0, v61  }
0x16e: {  	v3 =	vor.u32 v3, v4  }
0x16f: {  	v4 =	vperm.xlane v3, v0;
	_ =	sdelay $0x1  }
0x170: {  	v3 =	vperm.xlane v3, v2;
	v4 =	vadd.s32 v1, v4;
	_ =	sdelay $0x1  }
0x171: {  	v3 =	vadd.s32 v1, v3;
	_ =	sdelay $0x2  }
0x172: {  	[tilespmem:s17], [sflag:$0x1] =	stream.indirect_vreg.gather [hbm4b:s1+s3], $0x80, v4, vm0, $0xb8;
	[tilespmem:$0x18200] =	vst v63  }
0x173: {  	_ = 	snop  }
0x174: {  	[tilespmem:s18], [sflag:$0x1] =	stream.indirect_vreg.gather [hbm4b:s1+s3], $0x80, v3, vm0, $0xb8;
	[tilespmem:$0x18200] =	vst v63  }
0x175: {  	v3 =	vld [tilespmem:$0x1E0];
	_ =	sdelay $0x4  }
0x176: {  	v62 =	vshll.u32 v3, $0x1  }
0x177: {  	v3 =	vand.u32 $0x7, v3;
	v4 =	vand.u32 $0xFFFFFFF0, v62  }
0x178: {  	v3 =	vor.u32 v3, v4  }
0x179: {  	v4 =	vperm.xlane v3, v0;
	_ =	sdelay $0x1  }
0x17a: {  	v3 =	vperm.xlane v3, v2;
	v4 =	vadd.s32 v1, v4;
	_ =	sdelay $0x1  }
0x17b: {  	v3 =	vadd.s32 v1, v3;
	_ =	sdelay $0x2  }
0x17c: {  	[tilespmem:s19], [sflag:$0x1] =	stream.indirect_vreg.gather [hbm4b:s1+s3], $0x80, v4, vm0, $0xb8;
	[tilespmem:$0x18200] =	vst v63  }
0x17d: {  	_ = 	snop  }
0x17e: {  	[tilespmem:s20], [sflag:$0x1] =	stream.indirect_vreg.gather [hbm4b:s1+s3], $0x80, v3, vm0, $0xb8;
	[tilespmem:$0x18200] =	vst v63  }
0x17f: {  	v3 =	vld [tilespmem:$0x1F0];
	_ =	sdelay $0x4  }
0x180: {  	v63 =	vshll.u32 v3, $0x1  }
0x181: {  	v3 =	vand.u32 $0x7, v3;
	v4 =	vand.u32 $0xFFFFFFF0, v63  }
0x182: {  	v3 =	vor.u32 v3, v4  }
0x183: {  	v4 =	vperm.xlane v3, v0;
	_ =	sdelay $0x1  }
0x184: {  	v3 =	vperm.xlane v3, v2;
	v4 =	vadd.s32 v1, v4;
	_ =	sdelay $0x1  }
0x185: {  	v3 =	vadd.s32 v1, v3;
	_ =	sdelay $0x2  }
0x186: {  	[tilespmem:s21], [sflag:$0x1] =	stream.indirect_vreg.gather [hbm4b:s1+s3], $0x80, v4, vm0, $0xb8;
	[tilespmem:$0x18200] =	vst v63  }
0x187: {  	_ = 	snop  }
0x188: {  	[tilespmem:s22], [sflag:$0x1] =	stream.indirect_vreg.gather [hbm4b:s1+s3], $0x80, v3, vm0, $0xb8;
	[tilespmem:$0x18200] =	vst v63  }
0x189: {  	_ =	swait.ge [sflag:s30], $0x8000  }
0x18a: {  	[sflag:s30] =	ssyncset.done $0x0  }
0x18b: {  	s7 =	rddreg [dreg:$0x7];
	[sflag:s30] =	ssyncadd.s32 $0xFFFF8000  }
0x18c: {  	[hbm4b:s7+s24] =	stream.strided.scatter [tilespmem:s5], [sflag:$0x6], $0x8000, s25, s24, $0x38;
	[tilespmem:$0x18200] =	vst v63  }
0x18d: {  	_ =	swait.ge [sflag:s23], $0x8000  }
0x18e: {  	[sflag:s23] =	ssyncset.done $0x0  }
0x18f: {  	s7 =	rddreg [dreg:$0x8];
	[sflag:s23] =	ssyncadd.s32 $0xFFFF8000  }
0x190: {  	[hbm4b:s7+s24] =	stream.strided.scatter [tilespmem:s6], [sflag:$0x4], $0x8000, s25, s24, $0x38;
	[tilespmem:$0x18200] =	vst v63  }
0x191: {  	_ =	swait.ge [sflag:s31], $0x8000  }
0x192: {  	[sflag:s31] =	ssyncset.done $0x0  }
0x193: {  	[sflag:s31] =	ssyncadd.s32 $0xFFFF8000  }
0x194: {  	p0 =	sne.s32 s4, $0x1;
	_ =	swait.ge [sflag:s2], $0x8000  }
.Ltmp0:
0x195: {  	[sflag:s2] =	ssyncset.done $0x0;
	(pc) =	sbr.rel @p0 .LBB2_1-.Ltmp0, $4  }
0x196: {  	[sflag:s2] =	ssyncadd.s32 $0xFFFF8000  }
0x197: {  	_ =	swait.ge [sflag:s29], $0x8000  }
0x198: {  	[sflag:s29] =	ssyncset.done $0x0  }
0x199: {  	s4 =	sadd.s32 $0xFFFFFFFF, s4;
	[sflag:s29] =	ssyncadd.s32 $0xFFFF8000  }
0x19a: {  	_ =	sfence.sel $0x180000  }
0x19b: {  	[bflag:$0x0] =	sbarrier.arrive $0xFFFF  }
0x19c: {  	_ =	strace $0x90000047  }
0x19d: {  	s0 =	stileid.u32;
	[bflag:$0x2] =	sbarrier.arrive $0xFFFF  }
0x19e: {  	p0 =	sne.s32 s0, $0x0;
	s0 =	rddreg [dreg:$0x3]  }
0x19f: {  	s0 =	sadd.s32 @!p0 $0x100000, s0  }
0x1a0: {  	[sflag:s0] =	ssyncadd.tile.s32 @!p0 $0x1;
	_ =	shalt  }
.Lfunc_end2:
_tile_overlayer_lowered:
.L_overlay_start_2:
0x1a1: {  	(tag) =	ssettag $0x2  }
0x1a2: {  	s0 =	rddreg [dreg:$0x0];
	s2 =	stileid.u32  }
0x1a3: {  	s1 =	rddreg [dreg:$0x1];
	p0 =	sne.s32 s2, $0x0  }
0x1a4: {  	s3 =	rddreg [dreg:$0x2];
	[bflag:$0x3] =	sbarrier.arrive $0xFFFF;
	s2 =	simm.s32 @!p0 $0x1C07  }
0x1a5: {  	[timem:s3], [sflag:s2] =	dma.local @!p0 [hbm:s0], s1  }
0x1a6: {  	s0 =	simm.s32 @!p0 $0x7  }
0x1a7: {  	_ =	swait.ge @!p0 [sflag:s0], s1  }
0x1a8: {  	s1 =	ssub.s32 @!p0 $0x0, s1;
	[sflag:s0] =	ssyncset.done @!p0 $0x0  }
0x1a9: {  	[sflag:s0] =	ssyncadd.s32 @!p0 s1  }
0x1aa: {  	[bflag:$0x3] =	sbarrier.arrive $0xFFFF  }
0x1ab: {  	_ =	shalt  }

</sc_bundles>
